<compile_context>
chip_gen: v7x
topology: tpu7x:2x2x1
jax: 0.10.2.dev20260603
libtpu: 0.0.44.dev20260713+nightly
codegen_flags: <defaults>
</compile_context>

<pallas_src>
import functools
import jax
import jax.numpy as jnp
from jax import lax
from jax.experimental import pallas as pl
from jax.experimental.pallas import tpu as pltpu
from jax.experimental.pallas import tpu_sc as plsc


def _sc_body(x_hbm, out_hbm, in0, in1, dil, buf_zero,
             gsem0, gsem1, dsem, zsem):
    B, H, W, C = x_hbm.shape
    NC, NS = 2, 16
    n_rows = B * H // (NC * NS)
    wid = lax.axis_index("s") * NC + lax.axis_index("c")
    zv = jnp.zeros((16,), jnp.float32)
    nvec = C // 16

    def _zero_dil(r, _):
        for j in range(nvec):
            dil[r, pl.ds(16 * j, 16)] = zv
        return 0

    def _zero_buf(r, _):
        for j in range(nvec):
            buf_zero[r, pl.ds(16 * j, 16)] = zv
        return 0

    lax.fori_loop(0, 2 * W, _zero_dil, 0)
    lax.fori_loop(0, W // 2, _zero_buf, 0)

    def _src(t):
        g = wid * n_rows + t
        return g // H, g % H

    def _gather(t, buf, sem):
        b, h = _src(t)
        return pltpu.async_copy(x_hbm.at[b, h], buf, sem)

    def _wait_gather(t, buf, sem):
        b, h = _src(t)
        pltpu.make_async_copy(x_hbm.at[b, h], buf, sem).wait()

    def _scatter(t, buf, sem, odd):
        b, h = _src(t)
        return pltpu.async_copy(buf, out_hbm.at[b, 2 * h + odd], sem)

    def _wait_scatter(t, buf, sem, odd):
        b, h = _src(t)
        pltpu.make_async_copy(buf, out_hbm.at[b, 2 * h + odd], sem).wait()

    def _scatter_zero(t):
        b, h = _src(t)
        for q in range(4):
            pltpu.async_copy(
                buf_zero,
                out_hbm.at[b, 2 * h + 1, pl.ds(q * (W // 2), W // 2)],
                zsem)

    def _wait_zero(t):
        b, h = _src(t)
        for q in range(4):
            pltpu.make_async_copy(
                buf_zero,
                out_hbm.at[b, 2 * h + 1, pl.ds(q * (W // 2), W // 2)],
                zsem).wait()

    def _dilate(buf_in, buf_dil):
        def body(w, _):
            for j in range(nvec):
                buf_dil[2 * w, pl.ds(16 * j, 16)] = (
                    buf_in[w, pl.ds(16 * j, 16)])
            return 0
        lax.fori_loop(0, W, body, 0)

    _gather(0, in0, gsem0)

    def _iter(i, _):
        tA = 2 * i
        tB = 2 * i + 1

        @pl.when(i > 0)
        def _():
            _wait_scatter(tA - 1, dil, dsem, 0)
        _wait_gather(tA, in0, gsem0)
        _gather(tB, in1, gsem1)
        _dilate(in0, dil)
        _scatter(tA, dil, dsem, 0)

        @pl.when(i > 0)
        def _():
            _wait_zero(tA - 1)
        _scatter_zero(tA)

        _wait_scatter(tA, dil, dsem, 0)
        _wait_gather(tB, in1, gsem1)

        @pl.when(i < (n_rows // 2) - 1)
        def _():
            _gather(tB + 1, in0, gsem0)
        _dilate(in1, dil)
        _scatter(tB, dil, dsem, 0)
        _wait_zero(tA)
        _scatter_zero(tB)
        return 0

    lax.fori_loop(0, n_rows // 2, _iter, 0)

    _wait_scatter(n_rows - 1, dil, dsem, 0)
    _wait_zero(n_rows - 1)


def kernel(inputs):
    B, H, W, C = inputs.shape
    mesh = plsc.VectorSubcoreMesh(core_axis_name="c", subcore_axis_name="s")
    k = functools.partial(
        pl.kernel,
        mesh=mesh,
        out_type=jax.ShapeDtypeStruct((B, 2 * H, 2 * W, C), inputs.dtype),
        scratch_types=[
            pltpu.VMEM((W, C), jnp.float32),
            pltpu.VMEM((W, C), jnp.float32),
            pltpu.VMEM((2 * W, C), jnp.float32),
            pltpu.VMEM((W // 2, C), jnp.float32),
            pltpu.SemaphoreType.DMA,
            pltpu.SemaphoreType.DMA,
            pltpu.SemaphoreType.DMA,
            pltpu.SemaphoreType.DMA,
        ],
    )(_sc_body)
    return k(inputs)

# --- scband reference (transcript-rebuilt; emitter-appended) ---
"""Pipeline reference for scband-max-unpooling2-d-89326729822463 (READ-ONLY COPY).

The authoritative reference and input builder live on the scoring server;
editing this copy changes nothing except your own understanding.
"""

import jax, jax.numpy as jnp
import numpy as np


def setup_inputs(seed: int = 0) -> dict:
    key = jax.random.key(seed)
    inputs = jax.random.normal(key, (4, 112, 112, 192), dtype=jnp.float32)
    return {"inputs": inputs}


def reference(inputs):
    # MaxUnpooling2D without mask, fill_zeros=True, pool_size=(2, 2), channels_last.
    # Mirrors the TF implementation: interleave zeros along width, then along height,
    # via concat on the trailing axis followed by a reshape.
    B, H, W, C = inputs.shape
    ph, pw = 2, 2
    # --- width axis (axis=2): concat along axis 3, reshape to [B, H, W*pw, C] ---
    padding_w = jnp.zeros_like(inputs)
    parts_w = [inputs] + [padding_w for _ in range(pw - 1)]
    out = jnp.concatenate(parts_w, axis=3)
    out = jnp.reshape(out, (B, H, W * pw, C))
    # --- height axis (axis=1): concat along axis 2, reshape to [B, H*ph, W*pw, C] ---
    padding_h = jnp.zeros_like(out)
    parts_h = [out] + [padding_h for _ in range(ph - 1)]
    out = jnp.concatenate(parts_h, axis=2)
    out = jnp.reshape(out, (B, H * ph, W * pw, C))
    return out

if __name__ == "__main__":
    import jax
    _d = setup_inputs()
    print(jax.jit(kernel)(*tuple(_d.values())))

</pallas_src>

<mosaic_0001>
#map = affine_map<(d0, d1) -> (0, 0, 0, 0)>
module attributes {stable_mosaic.version = 14 : i64} {
  func.func @_sc_body(%arg0: i32, %arg1: i32, %arg2: memref<4x112x112x192xf32, #tpu.memory_space<hbm>>, %arg3: memref<4x224x224x192xf32, #tpu.memory_space<hbm>>, %arg4: memref<112x192xf32, #tpu.memory_space<vmem>>, %arg5: memref<112x192xf32, #tpu.memory_space<vmem>>, %arg6: memref<224x192xf32, #tpu.memory_space<vmem>>, %arg7: memref<56x192xf32, #tpu.memory_space<vmem>>, %arg8: memref<!tpu.dma_semaphore, #tpu.memory_space<semaphore_mem>>, %arg9: memref<!tpu.dma_semaphore, #tpu.memory_space<semaphore_mem>>, %arg10: memref<!tpu.dma_semaphore, #tpu.memory_space<semaphore_mem>>, %arg11: memref<!tpu.dma_semaphore, #tpu.memory_space<semaphore_mem>>) attributes {dimension_semantics = [#tpu.dimension_semantics<core_parallel>, #tpu.dimension_semantics<subcore_parallel>], iteration_bounds = array<i64: 2, 16>, scalar_prefetch = 0 : i64, scratch_operands = 8 : i64, tpu.core_type = #tpu.core_type<sc_vector_subcore>, window_params = [{transform_indices = #map}, {transform_indices = #map}]} {
    %mul3A = arith.constant 2 : i32
    %mul3A_0 = arith.muli %arg1, %mul3A : i32
    %add3A = arith.addi %mul3A_0, %arg0 : i32
    %broadcast_in_dim3A = arith.constant 0.000000e+00 : f32
    %broadcast_in_dim3A_1 = vector.broadcast %broadcast_in_dim3A : f32 to vector<16xf32>
    %scan3A = arith.constant 0 : i32
    %scan3A_2 = arith.constant 0 : i32
    %scan3A_3 = arith.constant 224 : i32
    %scan3A_4 = arith.addi %scan3A_2, %scan3A_3 : i32
    %scan3A_5 = arith.constant 1 : i32
    %scan3A_6 = scf.for %scan3A_210 = %scan3A_2 to %scan3A_4 step %scan3A_5 iter_args(%scan3A_211 = %scan3A) -> (i32)  : i32 {
      %swap3A = arith.index_cast %scan3A_210 : i32 to index
      %swap3A_212 = arith.constant 0 : index
      %swap3A_213 = tpu.vector_load %arg6[%swap3A, %swap3A_212] {strides = array<i32>} : memref<224x192xf32, #tpu.memory_space<vmem>>, vector<1x16xf32>,
      %swap3A_214 = vector.shape_cast %swap3A_213 : vector<1x16xf32> to vector<16xf32>
      %swap3A_215 = vector.shape_cast %broadcast_in_dim3A_1 : vector<16xf32> to vector<1x16xf32>
      tpu.vector_store %arg6[%swap3A, %swap3A_212], %swap3A_215 {strides = array<i32>} : memref<224x192xf32, #tpu.memory_space<vmem>>, vector<1x16xf32>,
      %swap3A_216 = arith.index_cast %scan3A_210 : i32 to index
      %swap3A_217 = arith.constant 16 : index
      %swap3A_218 = tpu.vector_load %arg6[%swap3A_216, %swap3A_217] {strides = array<i32>} : memref<224x192xf32, #tpu.memory_space<vmem>>, vector<1x16xf32>,
      %swap3A_219 = vector.shape_cast %swap3A_218 : vector<1x16xf32> to vector<16xf32>
      %swap3A_220 = vector.shape_cast %broadcast_in_dim3A_1 : vector<16xf32> to vector<1x16xf32>
      tpu.vector_store %arg6[%swap3A_216, %swap3A_217], %swap3A_220 {strides = array<i32>} : memref<224x192xf32, #tpu.memory_space<vmem>>, vector<1x16xf32>,
      %swap3A_221 = arith.index_cast %scan3A_210 : i32 to index
      %swap3A_222 = arith.constant 32 : index
      %swap3A_223 = tpu.vector_load %arg6[%swap3A_221, %swap3A_222] {strides = array<i32>} : memref<224x192xf32, #tpu.memory_space<vmem>>, vector<1x16xf32>,
      %swap3A_224 = vector.shape_cast %swap3A_223 : vector<1x16xf32> to vector<16xf32>
      %swap3A_225 = vector.shape_cast %broadcast_in_dim3A_1 : vector<16xf32> to vector<1x16xf32>
      tpu.vector_store %arg6[%swap3A_221, %swap3A_222], %swap3A_225 {strides = array<i32>} : memref<224x192xf32, #tpu.memory_space<vmem>>, vector<1x16xf32>,
      %swap3A_226 = arith.index_cast %scan3A_210 : i32 to index
      %swap3A_227 = arith.constant 48 : index
      %swap3A_228 = tpu.vector_load %arg6[%swap3A_226, %swap3A_227] {strides = array<i32>} : memref<224x192xf32, #tpu.memory_space<vmem>>, vector<1x16xf32>,
      %swap3A_229 = vector.shape_cast %swap3A_228 : vector<1x16xf32> to vector<16xf32>
      %swap3A_230 = vector.shape_cast %broadcast_in_dim3A_1 : vector<16xf32> to vector<1x16xf32>
      tpu.vector_store %arg6[%swap3A_226, %swap3A_227], %swap3A_230 {strides = array<i32>} : memref<224x192xf32, #tpu.memory_space<vmem>>, vector<1x16xf32>,
      %swap3A_231 = arith.index_cast %scan3A_210 : i32 to index
      %swap3A_232 = arith.constant 64 : index
      %swap3A_233 = tpu.vector_load %arg6[%swap3A_231, %swap3A_232] {strides = array<i32>} : memref<224x192xf32, #tpu.memory_space<vmem>>, vector<1x16xf32>,
      %swap3A_234 = vector.shape_cast %swap3A_233 : vector<1x16xf32> to vector<16xf32>
      %swap3A_235 = vector.shape_cast %broadcast_in_dim3A_1 : vector<16xf32> to vector<1x16xf32>
      tpu.vector_store %arg6[%swap3A_231, %swap3A_232], %swap3A_235 {strides = array<i32>} : memref<224x192xf32, #tpu.memory_space<vmem>>, vector<1x16xf32>,
      %swap3A_236 = arith.index_cast %scan3A_210 : i32 to index
      %swap3A_237 = arith.constant 80 : index
      %swap3A_238 = tpu.vector_load %arg6[%swap3A_236, %swap3A_237] {strides = array<i32>} : memref<224x192xf32, #tpu.memory_space<vmem>>, vector<1x16xf32>,
      %swap3A_239 = vector.shape_cast %swap3A_238 : vector<1x16xf32> to vector<16xf32>
      %swap3A_240 = vector.shape_cast %broadcast_in_dim3A_1 : vector<16xf32> to vector<1x16xf32>
      tpu.vector_store %arg6[%swap3A_236, %swap3A_237], %swap3A_240 {strides = array<i32>} : memref<224x192xf32, #tpu.memory_space<vmem>>, vector<1x16xf32>,
      %swap3A_241 = arith.index_cast %scan3A_210 : i32 to index
      %swap3A_242 = arith.constant 96 : index
      %swap3A_243 = tpu.vector_load %arg6[%swap3A_241, %swap3A_242] {strides = array<i32>} : memref<224x192xf32, #tpu.memory_space<vmem>>, vector<1x16xf32>,
      %swap3A_244 = vector.shape_cast %swap3A_243 : vector<1x16xf32> to vector<16xf32>
      %swap3A_245 = vector.shape_cast %broadcast_in_dim3A_1 : vector<16xf32> to vector<1x16xf32>
      tpu.vector_store %arg6[%swap3A_241, %swap3A_242], %swap3A_245 {strides = array<i32>} : memref<224x192xf32, #tpu.memory_space<vmem>>, vector<1x16xf32>,
      %swap3A_246 = arith.index_cast %scan3A_210 : i32 to index
      %swap3A_247 = arith.constant 112 : index
      %swap3A_248 = tpu.vector_load %arg6[%swap3A_246, %swap3A_247] {strides = array<i32>} : memref<224x192xf32, #tpu.memory_space<vmem>>, vector<1x16xf32>,
      %swap3A_249 = vector.shape_cast %swap3A_248 : vector<1x16xf32> to vector<16xf32>
      %swap3A_250 = vector.shape_cast %broadcast_in_dim3A_1 : vector<16xf32> to vector<1x16xf32>
      tpu.vector_store %arg6[%swap3A_246, %swap3A_247], %swap3A_250 {strides = array<i32>} : memref<224x192xf32, #tpu.memory_space<vmem>>, vector<1x16xf32>,
      %swap3A_251 = arith.index_cast %scan3A_210 : i32 to index
      %swap3A_252 = arith.constant 128 : index
      %swap3A_253 = tpu.vector_load %arg6[%swap3A_251, %swap3A_252] {strides = array<i32>} : memref<224x192xf32, #tpu.memory_space<vmem>>, vector<1x16xf32>,
      %swap3A_254 = vector.shape_cast %swap3A_253 : vector<1x16xf32> to vector<16xf32>
      %swap3A_255 = vector.shape_cast %broadcast_in_dim3A_1 : vector<16xf32> to vector<1x16xf32>
      tpu.vector_store %arg6[%swap3A_251, %swap3A_252], %swap3A_255 {strides = array<i32>} : memref<224x192xf32, #tpu.memory_space<vmem>>, vector<1x16xf32>,
      %swap3A_256 = arith.index_cast %scan3A_210 : i32 to index
      %swap3A_257 = arith.constant 144 : index
      %swap3A_258 = tpu.vector_load %arg6[%swap3A_256, %swap3A_257] {strides = array<i32>} : memref<224x192xf32, #tpu.memory_space<vmem>>, vector<1x16xf32>,
      %swap3A_259 = vector.shape_cast %swap3A_258 : vector<1x16xf32> to vector<16xf32>
      %swap3A_260 = vector.shape_cast %broadcast_in_dim3A_1 : vector<16xf32> to vector<1x16xf32>
      tpu.vector_store %arg6[%swap3A_256, %swap3A_257], %swap3A_260 {strides = array<i32>} : memref<224x192xf32, #tpu.memory_space<vmem>>, vector<1x16xf32>,
      %swap3A_261 = arith.index_cast %scan3A_210 : i32 to index
      %swap3A_262 = arith.constant 160 : index
      %swap3A_263 = tpu.vector_load %arg6[%swap3A_261, %swap3A_262] {strides = array<i32>} : memref<224x192xf32, #tpu.memory_space<vmem>>, vector<1x16xf32>,
      %swap3A_264 = vector.shape_cast %swap3A_263 : vector<1x16xf32> to vector<16xf32>
      %swap3A_265 = vector.shape_cast %broadcast_in_dim3A_1 : vector<16xf32> to vector<1x16xf32>
      tpu.vector_store %arg6[%swap3A_261, %swap3A_262], %swap3A_265 {strides = array<i32>} : memref<224x192xf32, #tpu.memory_space<vmem>>, vector<1x16xf32>,
      %swap3A_266 = arith.index_cast %scan3A_210 : i32 to index
      %swap3A_267 = arith.constant 176 : index
      %swap3A_268 = tpu.vector_load %arg6[%swap3A_266, %swap3A_267] {strides = array<i32>} : memref<224x192xf32, #tpu.memory_space<vmem>>, vector<1x16xf32>,
      %swap3A_269 = vector.shape_cast %swap3A_268 : vector<1x16xf32> to vector<16xf32>
      %swap3A_270 = vector.shape_cast %broadcast_in_dim3A_1 : vector<16xf32> to vector<1x16xf32>
      tpu.vector_store %arg6[%swap3A_266, %swap3A_267], %swap3A_270 {strides = array<i32>} : memref<224x192xf32, #tpu.memory_space<vmem>>, vector<1x16xf32>,
      %scan3A_271 = arith.constant 0 : i32
      scf.yield %scan3A_271 : i32
    }
    %scan3A_7 = arith.constant 224 : i32
    %scan3A_8 = arith.constant 0 : i32
    %scan3A_9 = arith.constant 0 : i32
    %scan3A_10 = arith.constant 56 : i32
    %scan3A_11 = arith.addi %scan3A_9, %scan3A_10 : i32
    %scan3A_12 = arith.constant 1 : i32
    %scan3A_13 = scf.for %scan3A_210 = %scan3A_9 to %scan3A_11 step %scan3A_12 iter_args(%scan3A_211 = %scan3A_8) -> (i32)  : i32 {
      %swap3A = arith.index_cast %scan3A_210 : i32 to index
      %swap3A_212 = arith.constant 0 : index
      %swap3A_213 = tpu.vector_load %arg7[%swap3A, %swap3A_212] {strides = array<i32>} : memref<56x192xf32, #tpu.memory_space<vmem>>, vector<1x16xf32>,
      %swap3A_214 = vector.shape_cast %swap3A_213 : vector<1x16xf32> to vector<16xf32>
      %swap3A_215 = vector.shape_cast %broadcast_in_dim3A_1 : vector<16xf32> to vector<1x16xf32>
      tpu.vector_store %arg7[%swap3A, %swap3A_212], %swap3A_215 {strides = array<i32>} : memref<56x192xf32, #tpu.memory_space<vmem>>, vector<1x16xf32>,
      %swap3A_216 = arith.index_cast %scan3A_210 : i32 to index
      %swap3A_217 = arith.constant 16 : index
      %swap3A_218 = tpu.vector_load %arg7[%swap3A_216, %swap3A_217] {strides = array<i32>} : memref<56x192xf32, #tpu.memory_space<vmem>>, vector<1x16xf32>,
      %swap3A_219 = vector.shape_cast %swap3A_218 : vector<1x16xf32> to vector<16xf32>
      %swap3A_220 = vector.shape_cast %broadcast_in_dim3A_1 : vector<16xf32> to vector<1x16xf32>
      tpu.vector_store %arg7[%swap3A_216, %swap3A_217], %swap3A_220 {strides = array<i32>} : memref<56x192xf32, #tpu.memory_space<vmem>>, vector<1x16xf32>,
      %swap3A_221 = arith.index_cast %scan3A_210 : i32 to index
      %swap3A_222 = arith.constant 32 : index
      %swap3A_223 = tpu.vector_load %arg7[%swap3A_221, %swap3A_222] {strides = array<i32>} : memref<56x192xf32, #tpu.memory_space<vmem>>, vector<1x16xf32>,
      %swap3A_224 = vector.shape_cast %swap3A_223 : vector<1x16xf32> to vector<16xf32>
      %swap3A_225 = vector.shape_cast %broadcast_in_dim3A_1 : vector<16xf32> to vector<1x16xf32>
      tpu.vector_store %arg7[%swap3A_221, %swap3A_222], %swap3A_225 {strides = array<i32>} : memref<56x192xf32, #tpu.memory_space<vmem>>, vector<1x16xf32>,
      %swap3A_226 = arith.index_cast %scan3A_210 : i32 to index
      %swap3A_227 = arith.constant 48 : index
      %swap3A_228 = tpu.vector_load %arg7[%swap3A_226, %swap3A_227] {strides = array<i32>} : memref<56x192xf32, #tpu.memory_space<vmem>>, vector<1x16xf32>,
      %swap3A_229 = vector.shape_cast %swap3A_228 : vector<1x16xf32> to vector<16xf32>
      %swap3A_230 = vector.shape_cast %broadcast_in_dim3A_1 : vector<16xf32> to vector<1x16xf32>
      tpu.vector_store %arg7[%swap3A_226, %swap3A_227], %swap3A_230 {strides = array<i32>} : memref<56x192xf32, #tpu.memory_space<vmem>>, vector<1x16xf32>,
      %swap3A_231 = arith.index_cast %scan3A_210 : i32 to index
      %swap3A_232 = arith.constant 64 : index
      %swap3A_233 = tpu.vector_load %arg7[%swap3A_231, %swap3A_232] {strides = array<i32>} : memref<56x192xf32, #tpu.memory_space<vmem>>, vector<1x16xf32>,
      %swap3A_234 = vector.shape_cast %swap3A_233 : vector<1x16xf32> to vector<16xf32>
      %swap3A_235 = vector.shape_cast %broadcast_in_dim3A_1 : vector<16xf32> to vector<1x16xf32>
      tpu.vector_store %arg7[%swap3A_231, %swap3A_232], %swap3A_235 {strides = array<i32>} : memref<56x192xf32, #tpu.memory_space<vmem>>, vector<1x16xf32>,
      %swap3A_236 = arith.index_cast %scan3A_210 : i32 to index
      %swap3A_237 = arith.constant 80 : index
      %swap3A_238 = tpu.vector_load %arg7[%swap3A_236, %swap3A_237] {strides = array<i32>} : memref<56x192xf32, #tpu.memory_space<vmem>>, vector<1x16xf32>,
      %swap3A_239 = vector.shape_cast %swap3A_238 : vector<1x16xf32> to vector<16xf32>
      %swap3A_240 = vector.shape_cast %broadcast_in_dim3A_1 : vector<16xf32> to vector<1x16xf32>
      tpu.vector_store %arg7[%swap3A_236, %swap3A_237], %swap3A_240 {strides = array<i32>} : memref<56x192xf32, #tpu.memory_space<vmem>>, vector<1x16xf32>,
      %swap3A_241 = arith.index_cast %scan3A_210 : i32 to index
      %swap3A_242 = arith.constant 96 : index
      %swap3A_243 = tpu.vector_load %arg7[%swap3A_241, %swap3A_242] {strides = array<i32>} : memref<56x192xf32, #tpu.memory_space<vmem>>, vector<1x16xf32>,
      %swap3A_244 = vector.shape_cast %swap3A_243 : vector<1x16xf32> to vector<16xf32>
      %swap3A_245 = vector.shape_cast %broadcast_in_dim3A_1 : vector<16xf32> to vector<1x16xf32>
      tpu.vector_store %arg7[%swap3A_241, %swap3A_242], %swap3A_245 {strides = array<i32>} : memref<56x192xf32, #tpu.memory_space<vmem>>, vector<1x16xf32>,
      %swap3A_246 = arith.index_cast %scan3A_210 : i32 to index
      %swap3A_247 = arith.constant 112 : index
      %swap3A_248 = tpu.vector_load %arg7[%swap3A_246, %swap3A_247] {strides = array<i32>} : memref<56x192xf32, #tpu.memory_space<vmem>>, vector<1x16xf32>,
      %swap3A_249 = vector.shape_cast %swap3A_248 : vector<1x16xf32> to vector<16xf32>
      %swap3A_250 = vector.shape_cast %broadcast_in_dim3A_1 : vector<16xf32> to vector<1x16xf32>
      tpu.vector_store %arg7[%swap3A_246, %swap3A_247], %swap3A_250 {strides = array<i32>} : memref<56x192xf32, #tpu.memory_space<vmem>>, vector<1x16xf32>,
      %swap3A_251 = arith.index_cast %scan3A_210 : i32 to index
      %swap3A_252 = arith.constant 128 : index
      %swap3A_253 = tpu.vector_load %arg7[%swap3A_251, %swap3A_252] {strides = array<i32>} : memref<56x192xf32, #tpu.memory_space<vmem>>, vector<1x16xf32>,
      %swap3A_254 = vector.shape_cast %swap3A_253 : vector<1x16xf32> to vector<16xf32>
      %swap3A_255 = vector.shape_cast %broadcast_in_dim3A_1 : vector<16xf32> to vector<1x16xf32>
      tpu.vector_store %arg7[%swap3A_251, %swap3A_252], %swap3A_255 {strides = array<i32>} : memref<56x192xf32, #tpu.memory_space<vmem>>, vector<1x16xf32>,
      %swap3A_256 = arith.index_cast %scan3A_210 : i32 to index
      %swap3A_257 = arith.constant 144 : index
      %swap3A_258 = tpu.vector_load %arg7[%swap3A_256, %swap3A_257] {strides = array<i32>} : memref<56x192xf32, #tpu.memory_space<vmem>>, vector<1x16xf32>,
      %swap3A_259 = vector.shape_cast %swap3A_258 : vector<1x16xf32> to vector<16xf32>
      %swap3A_260 = vector.shape_cast %broadcast_in_dim3A_1 : vector<16xf32> to vector<1x16xf32>
      tpu.vector_store %arg7[%swap3A_256, %swap3A_257], %swap3A_260 {strides = array<i32>} : memref<56x192xf32, #tpu.memory_space<vmem>>, vector<1x16xf32>,
      %swap3A_261 = arith.index_cast %scan3A_210 : i32 to index
      %swap3A_262 = arith.constant 160 : index
      %swap3A_263 = tpu.vector_load %arg7[%swap3A_261, %swap3A_262] {strides = array<i32>} : memref<56x192xf32, #tpu.memory_space<vmem>>, vector<1x16xf32>,
      %swap3A_264 = vector.shape_cast %swap3A_263 : vector<1x16xf32> to vector<16xf32>
      %swap3A_265 = vector.shape_cast %broadcast_in_dim3A_1 : vector<16xf32> to vector<1x16xf32>
      tpu.vector_store %arg7[%swap3A_261, %swap3A_262], %swap3A_265 {strides = array<i32>} : memref<56x192xf32, #tpu.memory_space<vmem>>, vector<1x16xf32>,
      %swap3A_266 = arith.index_cast %scan3A_210 : i32 to index
      %swap3A_267 = arith.constant 176 : index
      %swap3A_268 = tpu.vector_load %arg7[%swap3A_266, %swap3A_267] {strides = array<i32>} : memref<56x192xf32, #tpu.memory_space<vmem>>, vector<1x16xf32>,
      %swap3A_269 = vector.shape_cast %swap3A_268 : vector<1x16xf32> to vector<16xf32>
      %swap3A_270 = vector.shape_cast %broadcast_in_dim3A_1 : vector<16xf32> to vector<1x16xf32>
      tpu.vector_store %arg7[%swap3A_266, %swap3A_267], %swap3A_270 {strides = array<i32>} : memref<56x192xf32, #tpu.memory_space<vmem>>, vector<1x16xf32>,
      %scan3A_271 = arith.constant 0 : i32
      scf.yield %scan3A_271 : i32
    }
    %scan3A_14 = arith.constant 56 : i32
    %mul3A_15 = arith.constant 14 : i32
    %mul3A_16 = arith.muli %add3A, %mul3A_15 : i32
    %add3A_17 = arith.constant 0 : i32
    %add3A_18 = arith.addi %mul3A_16, %add3A_17 : i32
    %jit3A = arith.constant 112 : i32
    %div3A = arith.divsi %add3A_18, %jit3A : i32
    %sign3A = arith.constant 0 : i32
    %sign3A_19 = arith.cmpi sgt, %add3A_18, %sign3A : i32
    %sign3A_20 = arith.extui %sign3A_19 : i1 to i32
    %sign3A_21 = arith.constant 0 : i32
    %sign3A_22 = arith.cmpi slt, %add3A_18, %sign3A_21 : i32
    %sign3A_23 = arith.extui %sign3A_22 : i1 to i32
    %sign3A_24 = arith.subi %sign3A_20, %sign3A_23 : i32
    %sign3A_25 = arith.constant 0 : i32
    %sign3A_26 = arith.cmpi sgt, %jit3A, %sign3A_25 : i32
    %sign3A_27 = arith.extui %sign3A_26 : i1 to i32
    %sign3A_28 = arith.constant 0 : i32
    %sign3A_29 = arith.cmpi slt, %jit3A, %sign3A_28 : i32
    %sign3A_30 = arith.extui %sign3A_29 : i1 to i32
    %sign3A_31 = arith.subi %sign3A_27, %sign3A_30 : i32
    %ne3A = arith.cmpi ne, %sign3A_24, %sign3A_31 : i32
    %rem3A = arith.remsi %add3A_18, %jit3A : i32
    %ne3A_32 = arith.constant 0 : i32
    %ne3A_33 = arith.cmpi ne, %rem3A, %ne3A_32 : i32
    %and3A = arith.andi %ne3A, %ne3A_33 : i1
    %sub3A = arith.constant 1 : i32
    %sub3A_34 = arith.subi %div3A, %sub3A : i32
    %select_n3A = arith.select %and3A, %sub3A_34, %div3A : i32
    %jit3A_35 = arith.constant 112 : i32
    %eq3A = arith.constant 0 : i32
    %eq3A_36 = arith.cmpi eq, %jit3A_35, %eq3A : i32
    %jit3A_37 = arith.constant 1 : i32
    %select_n3A_38 = arith.select %eq3A_36, %jit3A_37, %jit3A_35 : i32
    %rem3A_39 = arith.remsi %add3A_18, %select_n3A_38 : i32
    %ne3A_40 = arith.constant 0 : i32
    %ne3A_41 = arith.cmpi ne, %rem3A_39, %ne3A_40 : i32
    %lt3A = arith.constant 0 : i32
    %lt3A_42 = arith.cmpi slt, %rem3A_39, %lt3A : i32
    %lt3A_43 = arith.constant 0 : i32
    %lt3A_44 = arith.cmpi slt, %select_n3A_38, %lt3A_43 : i32
    %ne3A_45 = arith.xori %lt3A_42, %lt3A_44 : i1
    %and3A_46 = arith.andi %ne3A_45, %ne3A_41 : i1
    %add3A_47 = arith.addi %rem3A_39, %select_n3A_38 : i32
    %select_n3A_48 = arith.select %and3A_46, %add3A_47, %rem3A_39 : i32
    %dma_start3A = arith.constant 0 : i32
    %dma_start3A_49 = arith.constant 0 : i32
    %dma_start3A_50 = tpu.memref_slice %arg2[%select_n3A, %select_n3A_48, %dma_start3A, %dma_start3A_49] : memref<4x112x112x192xf32, #tpu.memory_space<hbm>> -> memref<1x1x112x192xf32, #tpu.memory_space<hbm>>
    %dma_start3A_51 = tpu.memref_squeeze %dma_start3A_50 : memref<1x1x112x192xf32, #tpu.memory_space<hbm>> -> memref<112x192xf32, #tpu.memory_space<hbm>>
    %dma_start3A_52 = arith.constant 0 : i32
    %dma_start3A_53 = arith.constant 0 : i32
    %dma_start3A_54 = tpu.memref_slice %arg2[%select_n3A, %select_n3A_48, %dma_start3A_52, %dma_start3A_53] : memref<4x112x112x192xf32, #tpu.memory_space<hbm>> -> memref<1x1x112x192xf32, #tpu.memory_space<hbm>>
    %dma_start3A_55 = tpu.memref_squeeze %dma_start3A_54 : memref<1x1x112x192xf32, #tpu.memory_space<hbm>> -> memref<112x192xf32, #tpu.memory_space<hbm>>
    tpu.enqueue_dma source(%dma_start3A_55 : memref<112x192xf32, #tpu.memory_space<hbm>>) target(%arg4 : memref<112x192xf32, #tpu.memory_space<vmem>>) target_semaphore(%arg8 : memref<!tpu.dma_semaphore, #tpu.memory_space<semaphore_mem>>)
    %scan3A_56 = arith.constant 0 : i32
    %scan3A_57 = arith.constant 0 : i32
    %scan3A_58 = arith.constant 7 : i32
    %scan3A_59 = arith.addi %scan3A_57, %scan3A_58 : i32
    %scan3A_60 = arith.constant 1 : i32
    %scan3A_61 = scf.for %scan3A_210 = %scan3A_57 to %scan3A_59 step %scan3A_60 iter_args(%scan3A_211 = %scan3A_56) -> (i32)  : i32 {
      %mul3A_212 = arith.constant 2 : i32
      %mul3A_213 = arith.muli %mul3A_212, %scan3A_210 : i32
      %mul3A_214 = arith.constant 2 : i32
      %mul3A_215 = arith.muli %mul3A_214, %scan3A_210 : i32
      %add3A_216 = arith.constant 1 : i32
      %add3A_217 = arith.addi %mul3A_215, %add3A_216 : i32
      %gt3A = arith.constant 0 : i32
      %gt3A_218 = arith.cmpi sgt, %scan3A_210, %gt3A : i32
      %convert_element_type3A = arith.extui %gt3A_218 : i1 to i32
      %cond3A = arith.constant 0 : i32
      %cond3A_219 = arith.cmpi ne, %convert_element_type3A, %cond3A : i32
      scf.if %cond3A_219 {
        %sub3A_836 = arith.constant 1 : i32
        %sub3A_837 = arith.subi %mul3A_213, %sub3A_836 : i32
        %mul3A_838 = arith.constant 14 : i32
        %mul3A_839 = arith.muli %add3A, %mul3A_838 : i32
        %add3A_840 = arith.addi %mul3A_839, %sub3A_837 : i32
        %jit3A_841 = arith.constant 112 : i32
        %div3A_842 = arith.divsi %add3A_840, %jit3A_841 : i32
        %sign3A_843 = arith.constant 0 : i32
        %sign3A_844 = arith.cmpi sgt, %add3A_840, %sign3A_843 : i32
        %sign3A_845 = arith.extui %sign3A_844 : i1 to i32
        %sign3A_846 = arith.constant 0 : i32
        %sign3A_847 = arith.cmpi slt, %add3A_840, %sign3A_846 : i32
        %sign3A_848 = arith.extui %sign3A_847 : i1 to i32
        %sign3A_849 = arith.subi %sign3A_845, %sign3A_848 : i32
        %sign3A_850 = arith.constant 0 : i32
        %sign3A_851 = arith.cmpi sgt, %jit3A_841, %sign3A_850 : i32
        %sign3A_852 = arith.extui %sign3A_851 : i1 to i32
        %sign3A_853 = arith.constant 0 : i32
        %sign3A_854 = arith.cmpi slt, %jit3A_841, %sign3A_853 : i32
        %sign3A_855 = arith.extui %sign3A_854 : i1 to i32
        %sign3A_856 = arith.subi %sign3A_852, %sign3A_855 : i32
        %ne3A_857 = arith.cmpi ne, %sign3A_849, %sign3A_856 : i32
        %rem3A_858 = arith.remsi %add3A_840, %jit3A_841 : i32
        %ne3A_859 = arith.constant 0 : i32
        %ne3A_860 = arith.cmpi ne, %rem3A_858, %ne3A_859 : i32
        %and3A_861 = arith.andi %ne3A_857, %ne3A_860 : i1
        %sub3A_862 = arith.constant 1 : i32
        %sub3A_863 = arith.subi %div3A_842, %sub3A_862 : i32
        %select_n3A_864 = arith.select %and3A_861, %sub3A_863, %div3A_842 : i32
        %jit3A_865 = arith.constant 112 : i32
        %eq3A_866 = arith.constant 0 : i32
        %eq3A_867 = arith.cmpi eq, %jit3A_865, %eq3A_866 : i32
        %jit3A_868 = arith.constant 1 : i32
        %select_n3A_869 = arith.select %eq3A_867, %jit3A_868, %jit3A_865 : i32
        %rem3A_870 = arith.remsi %add3A_840, %select_n3A_869 : i32
        %ne3A_871 = arith.constant 0 : i32
        %ne3A_872 = arith.cmpi ne, %rem3A_870, %ne3A_871 : i32
        %lt3A_873 = arith.constant 0 : i32
        %lt3A_874 = arith.cmpi slt, %rem3A_870, %lt3A_873 : i32
        %lt3A_875 = arith.constant 0 : i32
        %lt3A_876 = arith.cmpi slt, %select_n3A_869, %lt3A_875 : i32
        %ne3A_877 = arith.xori %lt3A_874, %lt3A_876 : i1
        %and3A_878 = arith.andi %ne3A_877, %ne3A_872 : i1
        %add3A_879 = arith.addi %rem3A_870, %select_n3A_869 : i32
        %select_n3A_880 = arith.select %and3A_878, %add3A_879, %rem3A_870 : i32
        %mul3A_881 = arith.constant 2 : i32
        %mul3A_882 = arith.muli %mul3A_881, %select_n3A_880 : i32
        %add3A_883 = arith.constant 0 : i32
        %add3A_884 = arith.addi %mul3A_882, %add3A_883 : i32
        %dma_wait3A_885 = arith.constant 0 : i32
        %dma_wait3A_886 = arith.constant 0 : i32
        %dma_wait3A_887 = tpu.memref_slice %arg3[%select_n3A_864, %add3A_884, %dma_wait3A_885, %dma_wait3A_886] : memref<4x224x224x192xf32, #tpu.memory_space<hbm>> -> memref<1x1x224x192xf32, #tpu.memory_space<hbm>>
        %dma_wait3A_888 = tpu.memref_squeeze %dma_wait3A_887 : memref<1x1x224x192xf32, #tpu.memory_space<hbm>> -> memref<224x192xf32, #tpu.memory_space<hbm>>
        %dma_wait3A_889 = arith.constant 0 : i32
        %dma_wait3A_890 = arith.constant 0 : i32
        %dma_wait3A_891 = tpu.memref_slice %arg3[%select_n3A_864, %add3A_884, %dma_wait3A_889, %dma_wait3A_890] : memref<4x224x224x192xf32, #tpu.memory_space<hbm>> -> memref<1x1x224x192xf32, #tpu.memory_space<hbm>>
        %dma_wait3A_892 = tpu.memref_squeeze %dma_wait3A_891 : memref<1x1x224x192xf32, #tpu.memory_space<hbm>> -> memref<224x192xf32, #tpu.memory_space<hbm>>
        tpu.wait_dma2 semaphore(%arg10 : memref<!tpu.dma_semaphore, #tpu.memory_space<semaphore_mem>>) src(%arg6 : memref<224x192xf32, #tpu.memory_space<vmem>>) dst(%dma_wait3A_892 : memref<224x192xf32, #tpu.memory_space<hbm>>)
      } else {
      }
      %mul3A_220 = arith.constant 14 : i32
      %mul3A_221 = arith.muli %add3A, %mul3A_220 : i32
      %add3A_222 = arith.addi %mul3A_221, %mul3A_213 : i32
      %jit3A_223 = arith.constant 112 : i32
      %div3A_224 = arith.divsi %add3A_222, %jit3A_223 : i32
      %sign3A_225 = arith.constant 0 : i32
      %sign3A_226 = arith.cmpi sgt, %add3A_222, %sign3A_225 : i32
      %sign3A_227 = arith.extui %sign3A_226 : i1 to i32
      %sign3A_228 = arith.constant 0 : i32
      %sign3A_229 = arith.cmpi slt, %add3A_222, %sign3A_228 : i32
      %sign3A_230 = arith.extui %sign3A_229 : i1 to i32
      %sign3A_231 = arith.subi %sign3A_227, %sign3A_230 : i32
      %sign3A_232 = arith.constant 0 : i32
      %sign3A_233 = arith.cmpi sgt, %jit3A_223, %sign3A_232 : i32
      %sign3A_234 = arith.extui %sign3A_233 : i1 to i32
      %sign3A_235 = arith.constant 0 : i32
      %sign3A_236 = arith.cmpi slt, %jit3A_223, %sign3A_235 : i32
      %sign3A_237 = arith.extui %sign3A_236 : i1 to i32
      %sign3A_238 = arith.subi %sign3A_234, %sign3A_237 : i32
      %ne3A_239 = arith.cmpi ne, %sign3A_231, %sign3A_238 : i32
      %rem3A_240 = arith.remsi %add3A_222, %jit3A_223 : i32
      %ne3A_241 = arith.constant 0 : i32
      %ne3A_242 = arith.cmpi ne, %rem3A_240, %ne3A_241 : i32
      %and3A_243 = arith.andi %ne3A_239, %ne3A_242 : i1
      %sub3A_244 = arith.constant 1 : i32
      %sub3A_245 = arith.subi %div3A_224, %sub3A_244 : i32
      %select_n3A_246 = arith.select %and3A_243, %sub3A_245, %div3A_224 : i32
      %jit3A_247 = arith.constant 112 : i32
      %eq3A_248 = arith.constant 0 : i32
      %eq3A_249 = arith.cmpi eq, %jit3A_247, %eq3A_248 : i32
      %jit3A_250 = arith.constant 1 : i32
      %select_n3A_251 = arith.select %eq3A_249, %jit3A_250, %jit3A_247 : i32
      %rem3A_252 = arith.remsi %add3A_222, %select_n3A_251 : i32
      %ne3A_253 = arith.constant 0 : i32
      %ne3A_254 = arith.cmpi ne, %rem3A_252, %ne3A_253 : i32
      %lt3A_255 = arith.constant 0 : i32
      %lt3A_256 = arith.cmpi slt, %rem3A_252, %lt3A_255 : i32
      %lt3A_257 = arith.constant 0 : i32
      %lt3A_258 = arith.cmpi slt, %select_n3A_251, %lt3A_257 : i32
      %ne3A_259 = arith.xori %lt3A_256, %lt3A_258 : i1
      %and3A_260 = arith.andi %ne3A_259, %ne3A_254 : i1
      %add3A_261 = arith.addi %rem3A_252, %select_n3A_251 : i32
      %select_n3A_262 = arith.select %and3A_260, %add3A_261, %rem3A_252 : i32
      %dma_wait3A_263 = arith.constant 0 : i32
      %dma_wait3A_264 = arith.constant 0 : i32
      %dma_wait3A_265 = tpu.memref_slice %arg2[%select_n3A_246, %select_n3A_262, %dma_wait3A_263, %dma_wait3A_264] : memref<4x112x112x192xf32, #tpu.memory_space<hbm>> -> memref<1x1x112x192xf32, #tpu.memory_space<hbm>>
      %dma_wait3A_266 = tpu.memref_squeeze %dma_wait3A_265 : memref<1x1x112x192xf32, #tpu.memory_space<hbm>> -> memref<112x192xf32, #tpu.memory_space<hbm>>
      %dma_wait3A_267 = arith.constant 0 : i32
      %dma_wait3A_268 = arith.constant 0 : i32
      %dma_wait3A_269 = tpu.memref_slice %arg2[%select_n3A_246, %select_n3A_262, %dma_wait3A_267, %dma_wait3A_268] : memref<4x112x112x192xf32, #tpu.memory_space<hbm>> -> memref<1x1x112x192xf32, #tpu.memory_space<hbm>>
      %dma_wait3A_270 = tpu.memref_squeeze %dma_wait3A_269 : memref<1x1x112x192xf32, #tpu.memory_space<hbm>> -> memref<112x192xf32, #tpu.memory_space<hbm>>
      tpu.wait_dma2 semaphore(%arg8 : memref<!tpu.dma_semaphore, #tpu.memory_space<semaphore_mem>>) src(%dma_wait3A_270 : memref<112x192xf32, #tpu.memory_space<hbm>>) dst(%arg4 : memref<112x192xf32, #tpu.memory_space<vmem>>)
      %mul3A_271 = arith.constant 14 : i32
      %mul3A_272 = arith.muli %add3A, %mul3A_271 : i32
      %add3A_273 = arith.addi %mul3A_272, %add3A_217 : i32
      %jit3A_274 = arith.constant 112 : i32
      %div3A_275 = arith.divsi %add3A_273, %jit3A_274 : i32
      %sign3A_276 = arith.constant 0 : i32
      %sign3A_277 = arith.cmpi sgt, %add3A_273, %sign3A_276 : i32
      %sign3A_278 = arith.extui %sign3A_277 : i1 to i32
      %sign3A_279 = arith.constant 0 : i32
      %sign3A_280 = arith.cmpi slt, %add3A_273, %sign3A_279 : i32
      %sign3A_281 = arith.extui %sign3A_280 : i1 to i32
      %sign3A_282 = arith.subi %sign3A_278, %sign3A_281 : i32
      %sign3A_283 = arith.constant 0 : i32
      %sign3A_284 = arith.cmpi sgt, %jit3A_274, %sign3A_283 : i32
      %sign3A_285 = arith.extui %sign3A_284 : i1 to i32
      %sign3A_286 = arith.constant 0 : i32
      %sign3A_287 = arith.cmpi slt, %jit3A_274, %sign3A_286 : i32
      %sign3A_288 = arith.extui %sign3A_287 : i1 to i32
      %sign3A_289 = arith.subi %sign3A_285, %sign3A_288 : i32
      %ne3A_290 = arith.cmpi ne, %sign3A_282, %sign3A_289 : i32
      %rem3A_291 = arith.remsi %add3A_273, %jit3A_274 : i32
      %ne3A_292 = arith.constant 0 : i32
      %ne3A_293 = arith.cmpi ne, %rem3A_291, %ne3A_292 : i32
      %and3A_294 = arith.andi %ne3A_290, %ne3A_293 : i1
      %sub3A_295 = arith.constant 1 : i32
      %sub3A_296 = arith.subi %div3A_275, %sub3A_295 : i32
      %select_n3A_297 = arith.select %and3A_294, %sub3A_296, %div3A_275 : i32
      %jit3A_298 = arith.constant 112 : i32
      %eq3A_299 = arith.constant 0 : i32
      %eq3A_300 = arith.cmpi eq, %jit3A_298, %eq3A_299 : i32
      %jit3A_301 = arith.constant 1 : i32
      %select_n3A_302 = arith.select %eq3A_300, %jit3A_301, %jit3A_298 : i32
      %rem3A_303 = arith.remsi %add3A_273, %select_n3A_302 : i32
      %ne3A_304 = arith.constant 0 : i32
      %ne3A_305 = arith.cmpi ne, %rem3A_303, %ne3A_304 : i32
      %lt3A_306 = arith.constant 0 : i32
      %lt3A_307 = arith.cmpi slt, %rem3A_303, %lt3A_306 : i32
      %lt3A_308 = arith.constant 0 : i32
      %lt3A_309 = arith.cmpi slt, %select_n3A_302, %lt3A_308 : i32
      %ne3A_310 = arith.xori %lt3A_307, %lt3A_309 : i1
      %and3A_311 = arith.andi %ne3A_310, %ne3A_305 : i1
      %add3A_312 = arith.addi %rem3A_303, %select_n3A_302 : i32
      %select_n3A_313 = arith.select %and3A_311, %add3A_312, %rem3A_303 : i32
      %dma_start3A_314 = arith.constant 0 : i32
      %dma_start3A_315 = arith.constant 0 : i32
      %dma_start3A_316 = tpu.memref_slice %arg2[%select_n3A_297, %select_n3A_313, %dma_start3A_314, %dma_start3A_315] : memref<4x112x112x192xf32, #tpu.memory_space<hbm>> -> memref<1x1x112x192xf32, #tpu.memory_space<hbm>>
      %dma_start3A_317 = tpu.memref_squeeze %dma_start3A_316 : memref<1x1x112x192xf32, #tpu.memory_space<hbm>> -> memref<112x192xf32, #tpu.memory_space<hbm>>
      %dma_start3A_318 = arith.constant 0 : i32
      %dma_start3A_319 = arith.constant 0 : i32
      %dma_start3A_320 = tpu.memref_slice %arg2[%select_n3A_297, %select_n3A_313, %dma_start3A_318, %dma_start3A_319] : memref<4x112x112x192xf32, #tpu.memory_space<hbm>> -> memref<1x1x112x192xf32, #tpu.memory_space<hbm>>
      %dma_start3A_321 = tpu.memref_squeeze %dma_start3A_320 : memref<1x1x112x192xf32, #tpu.memory_space<hbm>> -> memref<112x192xf32, #tpu.memory_space<hbm>>
      tpu.enqueue_dma source(%dma_start3A_321 : memref<112x192xf32, #tpu.memory_space<hbm>>) target(%arg5 : memref<112x192xf32, #tpu.memory_space<vmem>>) target_semaphore(%arg9 : memref<!tpu.dma_semaphore, #tpu.memory_space<semaphore_mem>>)
      %scan3A_322 = arith.constant 0 : i32
      %scan3A_323 = arith.constant 0 : i32
      %scan3A_324 = arith.constant 112 : i32
      %scan3A_325 = arith.addi %scan3A_323, %scan3A_324 : i32
      %scan3A_326 = arith.constant 1 : i32
      %scan3A_327 = scf.for %scan3A_836 = %scan3A_323 to %scan3A_325 step %scan3A_326 iter_args(%scan3A_837 = %scan3A_322) -> (i32)  : i32 {
        %get3A = arith.index_cast %scan3A_836 : i32 to index
        %get3A_838 = arith.constant 0 : index
        %get3A_839 = tpu.vector_load %arg4[%get3A, %get3A_838] {strides = array<i32>} : memref<112x192xf32, #tpu.memory_space<vmem>>, vector<1x16xf32>,
        %get3A_840 = vector.shape_cast %get3A_839 : vector<1x16xf32> to vector<16xf32>
        %mul3A_841 = arith.constant 2 : i32
        %mul3A_842 = arith.muli %mul3A_841, %scan3A_836 : i32
        %swap3A = arith.index_cast %mul3A_842 : i32 to index
        %swap3A_843 = arith.constant 0 : index
        %swap3A_844 = tpu.vector_load %arg6[%swap3A, %swap3A_843] {strides = array<i32>} : memref<224x192xf32, #tpu.memory_space<vmem>>, vector<1x16xf32>,
        %swap3A_845 = vector.shape_cast %swap3A_844 : vector<1x16xf32> to vector<16xf32>
        %swap3A_846 = vector.shape_cast %get3A_840 : vector<16xf32> to vector<1x16xf32>
        tpu.vector_store %arg6[%swap3A, %swap3A_843], %swap3A_846 {strides = array<i32>} : memref<224x192xf32, #tpu.memory_space<vmem>>, vector<1x16xf32>,
        %get3A_847 = arith.index_cast %scan3A_836 : i32 to index
        %get3A_848 = arith.constant 16 : index
        %get3A_849 = tpu.vector_load %arg4[%get3A_847, %get3A_848] {strides = array<i32>} : memref<112x192xf32, #tpu.memory_space<vmem>>, vector<1x16xf32>,
        %get3A_850 = vector.shape_cast %get3A_849 : vector<1x16xf32> to vector<16xf32>
        %mul3A_851 = arith.constant 2 : i32
        %mul3A_852 = arith.muli %mul3A_851, %scan3A_836 : i32
        %swap3A_853 = arith.index_cast %mul3A_852 : i32 to index
        %swap3A_854 = arith.constant 16 : index
        %swap3A_855 = tpu.vector_load %arg6[%swap3A_853, %swap3A_854] {strides = array<i32>} : memref<224x192xf32, #tpu.memory_space<vmem>>, vector<1x16xf32>,
        %swap3A_856 = vector.shape_cast %swap3A_855 : vector<1x16xf32> to vector<16xf32>
        %swap3A_857 = vector.shape_cast %get3A_850 : vector<16xf32> to vector<1x16xf32>
        tpu.vector_store %arg6[%swap3A_853, %swap3A_854], %swap3A_857 {strides = array<i32>} : memref<224x192xf32, #tpu.memory_space<vmem>>, vector<1x16xf32>,
        %get3A_858 = arith.index_cast %scan3A_836 : i32 to index
        %get3A_859 = arith.constant 32 : index
        %get3A_860 = tpu.vector_load %arg4[%get3A_858, %get3A_859] {strides = array<i32>} : memref<112x192xf32, #tpu.memory_space<vmem>>, vector<1x16xf32>,
        %get3A_861 = vector.shape_cast %get3A_860 : vector<1x16xf32> to vector<16xf32>
        %mul3A_862 = arith.constant 2 : i32
        %mul3A_863 = arith.muli %mul3A_862, %scan3A_836 : i32
        %swap3A_864 = arith.index_cast %mul3A_863 : i32 to index
        %swap3A_865 = arith.constant 32 : index
        %swap3A_866 = tpu.vector_load %arg6[%swap3A_864, %swap3A_865] {strides = array<i32>} : memref<224x192xf32, #tpu.memory_space<vmem>>, vector<1x16xf32>,
        %swap3A_867 = vector.shape_cast %swap3A_866 : vector<1x16xf32> to vector<16xf32>
        %swap3A_868 = vector.shape_cast %get3A_861 : vector<16xf32> to vector<1x16xf32>
        tpu.vector_store %arg6[%swap3A_864, %swap3A_865], %swap3A_868 {strides = array<i32>} : memref<224x192xf32, #tpu.memory_space<vmem>>, vector<1x16xf32>,
        %get3A_869 = arith.index_cast %scan3A_836 : i32 to index
        %get3A_870 = arith.constant 48 : index
        %get3A_871 = tpu.vector_load %arg4[%get3A_869, %get3A_870] {strides = array<i32>} : memref<112x192xf32, #tpu.memory_space<vmem>>, vector<1x16xf32>,
        %get3A_872 = vector.shape_cast %get3A_871 : vector<1x16xf32> to vector<16xf32>
        %mul3A_873 = arith.constant 2 : i32
        %mul3A_874 = arith.muli %mul3A_873, %scan3A_836 : i32
        %swap3A_875 = arith.index_cast %mul3A_874 : i32 to index
        %swap3A_876 = arith.constant 48 : index
        %swap3A_877 = tpu.vector_load %arg6[%swap3A_875, %swap3A_876] {strides = array<i32>} : memref<224x192xf32, #tpu.memory_space<vmem>>, vector<1x16xf32>,
        %swap3A_878 = vector.shape_cast %swap3A_877 : vector<1x16xf32> to vector<16xf32>
        %swap3A_879 = vector.shape_cast %get3A_872 : vector<16xf32> to vector<1x16xf32>
        tpu.vector_store %arg6[%swap3A_875, %swap3A_876], %swap3A_879 {strides = array<i32>} : memref<224x192xf32, #tpu.memory_space<vmem>>, vector<1x16xf32>,
        %get3A_880 = arith.index_cast %scan3A_836 : i32 to index
        %get3A_881 = arith.constant 64 : index
        %get3A_882 = tpu.vector_load %arg4[%get3A_880, %get3A_881] {strides = array<i32>} : memref<112x192xf32, #tpu.memory_space<vmem>>, vector<1x16xf32>,
        %get3A_883 = vector.shape_cast %get3A_882 : vector<1x16xf32> to vector<16xf32>
        %mul3A_884 = arith.constant 2 : i32
        %mul3A_885 = arith.muli %mul3A_884, %scan3A_836 : i32
        %swap3A_886 = arith.index_cast %mul3A_885 : i32 to index
        %swap3A_887 = arith.constant 64 : index
        %swap3A_888 = tpu.vector_load %arg6[%swap3A_886, %swap3A_887] {strides = array<i32>} : memref<224x192xf32, #tpu.memory_space<vmem>>, vector<1x16xf32>,
        %swap3A_889 = vector.shape_cast %swap3A_888 : vector<1x16xf32> to vector<16xf32>
        %swap3A_890 = vector.shape_cast %get3A_883 : vector<16xf32> to vector<1x16xf32>
        tpu.vector_store %arg6[%swap3A_886, %swap3A_887], %swap3A_890 {strides = array<i32>} : memref<224x192xf32, #tpu.memory_space<vmem>>, vector<1x16xf32>,
        %get3A_891 = arith.index_cast %scan3A_836 : i32 to index
        %get3A_892 = arith.constant 80 : index
        %get3A_893 = tpu.vector_load %arg4[%get3A_891, %get3A_892] {strides = array<i32>} : memref<112x192xf32, #tpu.memory_space<vmem>>, vector<1x16xf32>,
        %get3A_894 = vector.shape_cast %get3A_893 : vector<1x16xf32> to vector<16xf32>
        %mul3A_895 = arith.constant 2 : i32
        %mul3A_896 = arith.muli %mul3A_895, %scan3A_836 : i32
        %swap3A_897 = arith.index_cast %mul3A_896 : i32 to index
        %swap3A_898 = arith.constant 80 : index
        %swap3A_899 = tpu.vector_load %arg6[%swap3A_897, %swap3A_898] {strides = array<i32>} : memref<224x192xf32, #tpu.memory_space<vmem>>, vector<1x16xf32>,
        %swap3A_900 = vector.shape_cast %swap3A_899 : vector<1x16xf32> to vector<16xf32>
        %swap3A_901 = vector.shape_cast %get3A_894 : vector<16xf32> to vector<1x16xf32>
        tpu.vector_store %arg6[%swap3A_897, %swap3A_898], %swap3A_901 {strides = array<i32>} : memref<224x192xf32, #tpu.memory_space<vmem>>, vector<1x16xf32>,
        %get3A_902 = arith.index_cast %scan3A_836 : i32 to index
        %get3A_903 = arith.constant 96 : index
        %get3A_904 = tpu.vector_load %arg4[%get3A_902, %get3A_903] {strides = array<i32>} : memref<112x192xf32, #tpu.memory_space<vmem>>, vector<1x16xf32>,
        %get3A_905 = vector.shape_cast %get3A_904 : vector<1x16xf32> to vector<16xf32>
        %mul3A_906 = arith.constant 2 : i32
        %mul3A_907 = arith.muli %mul3A_906, %scan3A_836 : i32
        %swap3A_908 = arith.index_cast %mul3A_907 : i32 to index
        %swap3A_909 = arith.constant 96 : index
        %swap3A_910 = tpu.vector_load %arg6[%swap3A_908, %swap3A_909] {strides = array<i32>} : memref<224x192xf32, #tpu.memory_space<vmem>>, vector<1x16xf32>,
        %swap3A_911 = vector.shape_cast %swap3A_910 : vector<1x16xf32> to vector<16xf32>
        %swap3A_912 = vector.shape_cast %get3A_905 : vector<16xf32> to vector<1x16xf32>
        tpu.vector_store %arg6[%swap3A_908, %swap3A_909], %swap3A_912 {strides = array<i32>} : memref<224x192xf32, #tpu.memory_space<vmem>>, vector<1x16xf32>,
        %get3A_913 = arith.index_cast %scan3A_836 : i32 to index
        %get3A_914 = arith.constant 112 : index
        %get3A_915 = tpu.vector_load %arg4[%get3A_913, %get3A_914] {strides = array<i32>} : memref<112x192xf32, #tpu.memory_space<vmem>>, vector<1x16xf32>,
        %get3A_916 = vector.shape_cast %get3A_915 : vector<1x16xf32> to vector<16xf32>
        %mul3A_917 = arith.constant 2 : i32
        %mul3A_918 = arith.muli %mul3A_917, %scan3A_836 : i32
        %swap3A_919 = arith.index_cast %mul3A_918 : i32 to index
        %swap3A_920 = arith.constant 112 : index
        %swap3A_921 = tpu.vector_load %arg6[%swap3A_919, %swap3A_920] {strides = array<i32>} : memref<224x192xf32, #tpu.memory_space<vmem>>, vector<1x16xf32>,
        %swap3A_922 = vector.shape_cast %swap3A_921 : vector<1x16xf32> to vector<16xf32>
        %swap3A_923 = vector.shape_cast %get3A_916 : vector<16xf32> to vector<1x16xf32>
        tpu.vector_store %arg6[%swap3A_919, %swap3A_920], %swap3A_923 {strides = array<i32>} : memref<224x192xf32, #tpu.memory_space<vmem>>, vector<1x16xf32>,
        %get3A_924 = arith.index_cast %scan3A_836 : i32 to index
        %get3A_925 = arith.constant 128 : index
        %get3A_926 = tpu.vector_load %arg4[%get3A_924, %get3A_925] {strides = array<i32>} : memref<112x192xf32, #tpu.memory_space<vmem>>, vector<1x16xf32>,
        %get3A_927 = vector.shape_cast %get3A_926 : vector<1x16xf32> to vector<16xf32>
        %mul3A_928 = arith.constant 2 : i32
        %mul3A_929 = arith.muli %mul3A_928, %scan3A_836 : i32
        %swap3A_930 = arith.index_cast %mul3A_929 : i32 to index
        %swap3A_931 = arith.constant 128 : index
        %swap3A_932 = tpu.vector_load %arg6[%swap3A_930, %swap3A_931] {strides = array<i32>} : memref<224x192xf32, #tpu.memory_space<vmem>>, vector<1x16xf32>,
        %swap3A_933 = vector.shape_cast %swap3A_932 : vector<1x16xf32> to vector<16xf32>
        %swap3A_934 = vector.shape_cast %get3A_927 : vector<16xf32> to vector<1x16xf32>
        tpu.vector_store %arg6[%swap3A_930, %swap3A_931], %swap3A_934 {strides = array<i32>} : memref<224x192xf32, #tpu.memory_space<vmem>>, vector<1x16xf32>,
        %get3A_935 = arith.index_cast %scan3A_836 : i32 to index
        %get3A_936 = arith.constant 144 : index
        %get3A_937 = tpu.vector_load %arg4[%get3A_935, %get3A_936] {strides = array<i32>} : memref<112x192xf32, #tpu.memory_space<vmem>>, vector<1x16xf32>,
        %get3A_938 = vector.shape_cast %get3A_937 : vector<1x16xf32> to vector<16xf32>
        %mul3A_939 = arith.constant 2 : i32
        %mul3A_940 = arith.muli %mul3A_939, %scan3A_836 : i32
        %swap3A_941 = arith.index_cast %mul3A_940 : i32 to index
        %swap3A_942 = arith.constant 144 : index
        %swap3A_943 = tpu.vector_load %arg6[%swap3A_941, %swap3A_942] {strides = array<i32>} : memref<224x192xf32, #tpu.memory_space<vmem>>, vector<1x16xf32>,
        %swap3A_944 = vector.shape_cast %swap3A_943 : vector<1x16xf32> to vector<16xf32>
        %swap3A_945 = vector.shape_cast %get3A_938 : vector<16xf32> to vector<1x16xf32>
        tpu.vector_store %arg6[%swap3A_941, %swap3A_942], %swap3A_945 {strides = array<i32>} : memref<224x192xf32, #tpu.memory_space<vmem>>, vector<1x16xf32>,
        %get3A_946 = arith.index_cast %scan3A_836 : i32 to index
        %get3A_947 = arith.constant 160 : index
        %get3A_948 = tpu.vector_load %arg4[%get3A_946, %get3A_947] {strides = array<i32>} : memref<112x192xf32, #tpu.memory_space<vmem>>, vector<1x16xf32>,
        %get3A_949 = vector.shape_cast %get3A_948 : vector<1x16xf32> to vector<16xf32>
        %mul3A_950 = arith.constant 2 : i32
        %mul3A_951 = arith.muli %mul3A_950, %scan3A_836 : i32
        %swap3A_952 = arith.index_cast %mul3A_951 : i32 to index
        %swap3A_953 = arith.constant 160 : index
        %swap3A_954 = tpu.vector_load %arg6[%swap3A_952, %swap3A_953] {strides = array<i32>} : memref<224x192xf32, #tpu.memory_space<vmem>>, vector<1x16xf32>,
        %swap3A_955 = vector.shape_cast %swap3A_954 : vector<1x16xf32> to vector<16xf32>
        %swap3A_956 = vector.shape_cast %get3A_949 : vector<16xf32> to vector<1x16xf32>
        tpu.vector_store %arg6[%swap3A_952, %swap3A_953], %swap3A_956 {strides = array<i32>} : memref<224x192xf32, #tpu.memory_space<vmem>>, vector<1x16xf32>,
        %get3A_957 = arith.index_cast %scan3A_836 : i32 to index
        %get3A_958 = arith.constant 176 : index
        %get3A_959 = tpu.vector_load %arg4[%get3A_957, %get3A_958] {strides = array<i32>} : memref<112x192xf32, #tpu.memory_space<vmem>>, vector<1x16xf32>,
        %get3A_960 = vector.shape_cast %get3A_959 : vector<1x16xf32> to vector<16xf32>
        %mul3A_961 = arith.constant 2 : i32
        %mul3A_962 = arith.muli %mul3A_961, %scan3A_836 : i32
        %swap3A_963 = arith.index_cast %mul3A_962 : i32 to index
        %swap3A_964 = arith.constant 176 : index
        %swap3A_965 = tpu.vector_load %arg6[%swap3A_963, %swap3A_964] {strides = array<i32>} : memref<224x192xf32, #tpu.memory_space<vmem>>, vector<1x16xf32>,
        %swap3A_966 = vector.shape_cast %swap3A_965 : vector<1x16xf32> to vector<16xf32>
        %swap3A_967 = vector.shape_cast %get3A_960 : vector<16xf32> to vector<1x16xf32>
        tpu.vector_store %arg6[%swap3A_963, %swap3A_964], %swap3A_967 {strides = array<i32>} : memref<224x192xf32, #tpu.memory_space<vmem>>, vector<1x16xf32>,
        %scan3A_968 = arith.constant 0 : i32
        scf.yield %scan3A_968 : i32
      }
      %scan3A_328 = arith.constant 112 : i32
      %mul3A_329 = arith.constant 14 : i32
      %mul3A_330 = arith.muli %add3A, %mul3A_329 : i32
      %add3A_331 = arith.addi %mul3A_330, %mul3A_213 : i32
      %jit3A_332 = arith.constant 112 : i32
      %div3A_333 = arith.divsi %add3A_331, %jit3A_332 : i32
      %sign3A_334 = arith.constant 0 : i32
      %sign3A_335 = arith.cmpi sgt, %add3A_331, %sign3A_334 : i32
      %sign3A_336 = arith.extui %sign3A_335 : i1 to i32
      %sign3A_337 = arith.constant 0 : i32
      %sign3A_338 = arith.cmpi slt, %add3A_331, %sign3A_337 : i32
      %sign3A_339 = arith.extui %sign3A_338 : i1 to i32
      %sign3A_340 = arith.subi %sign3A_336, %sign3A_339 : i32
      %sign3A_341 = arith.constant 0 : i32
      %sign3A_342 = arith.cmpi sgt, %jit3A_332, %sign3A_341 : i32
      %sign3A_343 = arith.extui %sign3A_342 : i1 to i32
      %sign3A_344 = arith.constant 0 : i32
      %sign3A_345 = arith.cmpi slt, %jit3A_332, %sign3A_344 : i32
      %sign3A_346 = arith.extui %sign3A_345 : i1 to i32
      %sign3A_347 = arith.subi %sign3A_343, %sign3A_346 : i32
      %ne3A_348 = arith.cmpi ne, %sign3A_340, %sign3A_347 : i32
      %rem3A_349 = arith.remsi %add3A_331, %jit3A_332 : i32
      %ne3A_350 = arith.constant 0 : i32
      %ne3A_351 = arith.cmpi ne, %rem3A_349, %ne3A_350 : i32
      %and3A_352 = arith.andi %ne3A_348, %ne3A_351 : i1
      %sub3A_353 = arith.constant 1 : i32
      %sub3A_354 = arith.subi %div3A_333, %sub3A_353 : i32
      %select_n3A_355 = arith.select %and3A_352, %sub3A_354, %div3A_333 : i32
      %jit3A_356 = arith.constant 112 : i32
      %eq3A_357 = arith.constant 0 : i32
      %eq3A_358 = arith.cmpi eq, %jit3A_356, %eq3A_357 : i32
      %jit3A_359 = arith.constant 1 : i32
      %select_n3A_360 = arith.select %eq3A_358, %jit3A_359, %jit3A_356 : i32
      %rem3A_361 = arith.remsi %add3A_331, %select_n3A_360 : i32
      %ne3A_362 = arith.constant 0 : i32
      %ne3A_363 = arith.cmpi ne, %rem3A_361, %ne3A_362 : i32
      %lt3A_364 = arith.constant 0 : i32
      %lt3A_365 = arith.cmpi slt, %rem3A_361, %lt3A_364 : i32
      %lt3A_366 = arith.constant 0 : i32
      %lt3A_367 = arith.cmpi slt, %select_n3A_360, %lt3A_366 : i32
      %ne3A_368 = arith.xori %lt3A_365, %lt3A_367 : i1
      %and3A_369 = arith.andi %ne3A_368, %ne3A_363 : i1
      %add3A_370 = arith.addi %rem3A_361, %select_n3A_360 : i32
      %select_n3A_371 = arith.select %and3A_369, %add3A_370, %rem3A_361 : i32
      %mul3A_372 = arith.constant 2 : i32
      %mul3A_373 = arith.muli %mul3A_372, %select_n3A_371 : i32
      %add3A_374 = arith.constant 0 : i32
      %add3A_375 = arith.addi %mul3A_373, %add3A_374 : i32
      %dma_start3A_376 = arith.constant 0 : i32
      %dma_start3A_377 = arith.constant 0 : i32
      %dma_start3A_378 = tpu.memref_slice %arg3[%select_n3A_355, %add3A_375, %dma_start3A_376, %dma_start3A_377] : memref<4x224x224x192xf32, #tpu.memory_space<hbm>> -> memref<1x1x224x192xf32, #tpu.memory_space<hbm>>
      %dma_start3A_379 = tpu.memref_squeeze %dma_start3A_378 : memref<1x1x224x192xf32, #tpu.memory_space<hbm>> -> memref<224x192xf32, #tpu.memory_space<hbm>>
      %dma_start3A_380 = arith.constant 0 : i32
      %dma_start3A_381 = arith.constant 0 : i32
      %dma_start3A_382 = tpu.memref_slice %arg3[%select_n3A_355, %add3A_375, %dma_start3A_380, %dma_start3A_381] : memref<4x224x224x192xf32, #tpu.memory_space<hbm>> -> memref<1x1x224x192xf32, #tpu.memory_space<hbm>>
      %dma_start3A_383 = tpu.memref_squeeze %dma_start3A_382 : memref<1x1x224x192xf32, #tpu.memory_space<hbm>> -> memref<224x192xf32, #tpu.memory_space<hbm>>
      tpu.enqueue_dma source(%arg6 : memref<224x192xf32, #tpu.memory_space<vmem>>) target(%dma_start3A_383 : memref<224x192xf32, #tpu.memory_space<hbm>>) target_semaphore(%arg10 : memref<!tpu.dma_semaphore, #tpu.memory_space<semaphore_mem>>)
      %gt3A_384 = arith.constant 0 : i32
      %gt3A_385 = arith.cmpi sgt, %scan3A_210, %gt3A_384 : i32
      %convert_element_type3A_386 = arith.extui %gt3A_385 : i1 to i32
      %cond3A_387 = arith.constant 0 : i32
      %cond3A_388 = arith.cmpi ne, %convert_element_type3A_386, %cond3A_387 : i32
      scf.if %cond3A_388 {
        %sub3A_836 = arith.constant 1 : i32
        %sub3A_837 = arith.subi %mul3A_213, %sub3A_836 : i32
        %mul3A_838 = arith.constant 14 : i32
        %mul3A_839 = arith.muli %add3A, %mul3A_838 : i32
        %add3A_840 = arith.addi %mul3A_839, %sub3A_837 : i32
        %jit3A_841 = arith.constant 112 : i32
        %div3A_842 = arith.divsi %add3A_840, %jit3A_841 : i32
        %sign3A_843 = arith.constant 0 : i32
        %sign3A_844 = arith.cmpi sgt, %add3A_840, %sign3A_843 : i32
        %sign3A_845 = arith.extui %sign3A_844 : i1 to i32
        %sign3A_846 = arith.constant 0 : i32
        %sign3A_847 = arith.cmpi slt, %add3A_840, %sign3A_846 : i32
        %sign3A_848 = arith.extui %sign3A_847 : i1 to i32
        %sign3A_849 = arith.subi %sign3A_845, %sign3A_848 : i32
        %sign3A_850 = arith.constant 0 : i32
        %sign3A_851 = arith.cmpi sgt, %jit3A_841, %sign3A_850 : i32
        %sign3A_852 = arith.extui %sign3A_851 : i1 to i32
        %sign3A_853 = arith.constant 0 : i32
        %sign3A_854 = arith.cmpi slt, %jit3A_841, %sign3A_853 : i32
        %sign3A_855 = arith.extui %sign3A_854 : i1 to i32
        %sign3A_856 = arith.subi %sign3A_852, %sign3A_855 : i32
        %ne3A_857 = arith.cmpi ne, %sign3A_849, %sign3A_856 : i32
        %rem3A_858 = arith.remsi %add3A_840, %jit3A_841 : i32
        %ne3A_859 = arith.constant 0 : i32
        %ne3A_860 = arith.cmpi ne, %rem3A_858, %ne3A_859 : i32
        %and3A_861 = arith.andi %ne3A_857, %ne3A_860 : i1
        %sub3A_862 = arith.constant 1 : i32
        %sub3A_863 = arith.subi %div3A_842, %sub3A_862 : i32
        %select_n3A_864 = arith.select %and3A_861, %sub3A_863, %div3A_842 : i32
        %jit3A_865 = arith.constant 112 : i32
        %eq3A_866 = arith.constant 0 : i32
        %eq3A_867 = arith.cmpi eq, %jit3A_865, %eq3A_866 : i32
        %jit3A_868 = arith.constant 1 : i32
        %select_n3A_869 = arith.select %eq3A_867, %jit3A_868, %jit3A_865 : i32
        %rem3A_870 = arith.remsi %add3A_840, %select_n3A_869 : i32
        %ne3A_871 = arith.constant 0 : i32
        %ne3A_872 = arith.cmpi ne, %rem3A_870, %ne3A_871 : i32
        %lt3A_873 = arith.constant 0 : i32
        %lt3A_874 = arith.cmpi slt, %rem3A_870, %lt3A_873 : i32
        %lt3A_875 = arith.constant 0 : i32
        %lt3A_876 = arith.cmpi slt, %select_n3A_869, %lt3A_875 : i32
        %ne3A_877 = arith.xori %lt3A_874, %lt3A_876 : i1
        %and3A_878 = arith.andi %ne3A_877, %ne3A_872 : i1
        %add3A_879 = arith.addi %rem3A_870, %select_n3A_869 : i32
        %select_n3A_880 = arith.select %and3A_878, %add3A_879, %rem3A_870 : i32
        %mul3A_881 = arith.constant 2 : i32
        %mul3A_882 = arith.muli %mul3A_881, %select_n3A_880 : i32
        %add3A_883 = arith.constant 1 : i32
        %add3A_884 = arith.addi %mul3A_882, %add3A_883 : i32
        %dma_wait3A_885 = arith.constant 0 : i32
        %dma_wait3A_886 = arith.constant 0 : i32
        %dma_wait3A_887 = tpu.memref_slice %arg3[%select_n3A_864, %add3A_884, %dma_wait3A_885, %dma_wait3A_886] : memref<4x224x224x192xf32, #tpu.memory_space<hbm>> -> memref<1x1x56x192xf32, #tpu.memory_space<hbm>>
        %dma_wait3A_888 = tpu.memref_squeeze %dma_wait3A_887 : memref<1x1x56x192xf32, #tpu.memory_space<hbm>> -> memref<56x192xf32, #tpu.memory_space<hbm>>
        %dma_wait3A_889 = arith.constant 0 : i32
        %dma_wait3A_890 = arith.constant 0 : i32
        %dma_wait3A_891 = tpu.memref_slice %arg3[%select_n3A_864, %add3A_884, %dma_wait3A_889, %dma_wait3A_890] : memref<4x224x224x192xf32, #tpu.memory_space<hbm>> -> memref<1x1x56x192xf32, #tpu.memory_space<hbm>>
        %dma_wait3A_892 = tpu.memref_squeeze %dma_wait3A_891 : memref<1x1x56x192xf32, #tpu.memory_space<hbm>> -> memref<56x192xf32, #tpu.memory_space<hbm>>
        tpu.wait_dma2 semaphore(%arg11 : memref<!tpu.dma_semaphore, #tpu.memory_space<semaphore_mem>>) src(%arg7 : memref<56x192xf32, #tpu.memory_space<vmem>>) dst(%dma_wait3A_892 : memref<56x192xf32, #tpu.memory_space<hbm>>)
        %mul3A_893 = arith.constant 2 : i32
        %mul3A_894 = arith.muli %mul3A_893, %select_n3A_880 : i32
        %add3A_895 = arith.constant 1 : i32
        %add3A_896 = arith.addi %mul3A_894, %add3A_895 : i32
        %dma_wait3A_897 = arith.constant 56 : i32
        %dma_wait3A_898 = arith.constant 0 : i32
        %dma_wait3A_899 = tpu.memref_slice %arg3[%select_n3A_864, %add3A_896, %dma_wait3A_897, %dma_wait3A_898] : memref<4x224x224x192xf32, #tpu.memory_space<hbm>> -> memref<1x1x56x192xf32, #tpu.memory_space<hbm>>
        %dma_wait3A_900 = tpu.memref_squeeze %dma_wait3A_899 : memref<1x1x56x192xf32, #tpu.memory_space<hbm>> -> memref<56x192xf32, #tpu.memory_space<hbm>>
        %dma_wait3A_901 = arith.constant 56 : i32
        %dma_wait3A_902 = arith.constant 0 : i32
        %dma_wait3A_903 = tpu.memref_slice %arg3[%select_n3A_864, %add3A_896, %dma_wait3A_901, %dma_wait3A_902] : memref<4x224x224x192xf32, #tpu.memory_space<hbm>> -> memref<1x1x56x192xf32, #tpu.memory_space<hbm>>
        %dma_wait3A_904 = tpu.memref_squeeze %dma_wait3A_903 : memref<1x1x56x192xf32, #tpu.memory_space<hbm>> -> memref<56x192xf32, #tpu.memory_space<hbm>>
        tpu.wait_dma2 semaphore(%arg11 : memref<!tpu.dma_semaphore, #tpu.memory_space<semaphore_mem>>) src(%arg7 : memref<56x192xf32, #tpu.memory_space<vmem>>) dst(%dma_wait3A_904 : memref<56x192xf32, #tpu.memory_space<hbm>>)
        %mul3A_905 = arith.constant 2 : i32
        %mul3A_906 = arith.muli %mul3A_905, %select_n3A_880 : i32
        %add3A_907 = arith.constant 1 : i32
        %add3A_908 = arith.addi %mul3A_906, %add3A_907 : i32
        %dma_wait3A_909 = arith.constant 112 : i32
        %dma_wait3A_910 = arith.constant 0 : i32
        %dma_wait3A_911 = tpu.memref_slice %arg3[%select_n3A_864, %add3A_908, %dma_wait3A_909, %dma_wait3A_910] : memref<4x224x224x192xf32, #tpu.memory_space<hbm>> -> memref<1x1x56x192xf32, #tpu.memory_space<hbm>>
        %dma_wait3A_912 = tpu.memref_squeeze %dma_wait3A_911 : memref<1x1x56x192xf32, #tpu.memory_space<hbm>> -> memref<56x192xf32, #tpu.memory_space<hbm>>
        %dma_wait3A_913 = arith.constant 112 : i32
        %dma_wait3A_914 = arith.constant 0 : i32
        %dma_wait3A_915 = tpu.memref_slice %arg3[%select_n3A_864, %add3A_908, %dma_wait3A_913, %dma_wait3A_914] : memref<4x224x224x192xf32, #tpu.memory_space<hbm>> -> memref<1x1x56x192xf32, #tpu.memory_space<hbm>>
        %dma_wait3A_916 = tpu.memref_squeeze %dma_wait3A_915 : memref<1x1x56x192xf32, #tpu.memory_space<hbm>> -> memref<56x192xf32, #tpu.memory_space<hbm>>
        tpu.wait_dma2 semaphore(%arg11 : memref<!tpu.dma_semaphore, #tpu.memory_space<semaphore_mem>>) src(%arg7 : memref<56x192xf32, #tpu.memory_space<vmem>>) dst(%dma_wait3A_916 : memref<56x192xf32, #tpu.memory_space<hbm>>)
        %mul3A_917 = arith.constant 2 : i32
        %mul3A_918 = arith.muli %mul3A_917, %select_n3A_880 : i32
        %add3A_919 = arith.constant 1 : i32
        %add3A_920 = arith.addi %mul3A_918, %add3A_919 : i32
        %dma_wait3A_921 = arith.constant 168 : i32
        %dma_wait3A_922 = arith.constant 0 : i32
        %dma_wait3A_923 = tpu.memref_slice %arg3[%select_n3A_864, %add3A_920, %dma_wait3A_921, %dma_wait3A_922] : memref<4x224x224x192xf32, #tpu.memory_space<hbm>> -> memref<1x1x56x192xf32, #tpu.memory_space<hbm>>
        %dma_wait3A_924 = tpu.memref_squeeze %dma_wait3A_923 : memref<1x1x56x192xf32, #tpu.memory_space<hbm>> -> memref<56x192xf32, #tpu.memory_space<hbm>>
        %dma_wait3A_925 = arith.constant 168 : i32
        %dma_wait3A_926 = arith.constant 0 : i32
        %dma_wait3A_927 = tpu.memref_slice %arg3[%select_n3A_864, %add3A_920, %dma_wait3A_925, %dma_wait3A_926] : memref<4x224x224x192xf32, #tpu.memory_space<hbm>> -> memref<1x1x56x192xf32, #tpu.memory_space<hbm>>
        %dma_wait3A_928 = tpu.memref_squeeze %dma_wait3A_927 : memref<1x1x56x192xf32, #tpu.memory_space<hbm>> -> memref<56x192xf32, #tpu.memory_space<hbm>>
        tpu.wait_dma2 semaphore(%arg11 : memref<!tpu.dma_semaphore, #tpu.memory_space<semaphore_mem>>) src(%arg7 : memref<56x192xf32, #tpu.memory_space<vmem>>) dst(%dma_wait3A_928 : memref<56x192xf32, #tpu.memory_space<hbm>>)
      } else {
      }
      %mul3A_389 = arith.constant 14 : i32
      %mul3A_390 = arith.muli %add3A, %mul3A_389 : i32
      %add3A_391 = arith.addi %mul3A_390, %mul3A_213 : i32
      %jit3A_392 = arith.constant 112 : i32
      %div3A_393 = arith.divsi %add3A_391, %jit3A_392 : i32
      %sign3A_394 = arith.constant 0 : i32
      %sign3A_395 = arith.cmpi sgt, %add3A_391, %sign3A_394 : i32
      %sign3A_396 = arith.extui %sign3A_395 : i1 to i32
      %sign3A_397 = arith.constant 0 : i32
      %sign3A_398 = arith.cmpi slt, %add3A_391, %sign3A_397 : i32
      %sign3A_399 = arith.extui %sign3A_398 : i1 to i32
      %sign3A_400 = arith.subi %sign3A_396, %sign3A_399 : i32
      %sign3A_401 = arith.constant 0 : i32
      %sign3A_402 = arith.cmpi sgt, %jit3A_392, %sign3A_401 : i32
      %sign3A_403 = arith.extui %sign3A_402 : i1 to i32
      %sign3A_404 = arith.constant 0 : i32
      %sign3A_405 = arith.cmpi slt, %jit3A_392, %sign3A_404 : i32
      %sign3A_406 = arith.extui %sign3A_405 : i1 to i32
      %sign3A_407 = arith.subi %sign3A_403, %sign3A_406 : i32
      %ne3A_408 = arith.cmpi ne, %sign3A_400, %sign3A_407 : i32
      %rem3A_409 = arith.remsi %add3A_391, %jit3A_392 : i32
      %ne3A_410 = arith.constant 0 : i32
      %ne3A_411 = arith.cmpi ne, %rem3A_409, %ne3A_410 : i32
      %and3A_412 = arith.andi %ne3A_408, %ne3A_411 : i1
      %sub3A_413 = arith.constant 1 : i32
      %sub3A_414 = arith.subi %div3A_393, %sub3A_413 : i32
      %select_n3A_415 = arith.select %and3A_412, %sub3A_414, %div3A_393 : i32
      %jit3A_416 = arith.constant 112 : i32
      %eq3A_417 = arith.constant 0 : i32
      %eq3A_418 = arith.cmpi eq, %jit3A_416, %eq3A_417 : i32
      %jit3A_419 = arith.constant 1 : i32
      %select_n3A_420 = arith.select %eq3A_418, %jit3A_419, %jit3A_416 : i32
      %rem3A_421 = arith.remsi %add3A_391, %select_n3A_420 : i32
      %ne3A_422 = arith.constant 0 : i32
      %ne3A_423 = arith.cmpi ne, %rem3A_421, %ne3A_422 : i32
      %lt3A_424 = arith.constant 0 : i32
      %lt3A_425 = arith.cmpi slt, %rem3A_421, %lt3A_424 : i32
      %lt3A_426 = arith.constant 0 : i32
      %lt3A_427 = arith.cmpi slt, %select_n3A_420, %lt3A_426 : i32
      %ne3A_428 = arith.xori %lt3A_425, %lt3A_427 : i1
      %and3A_429 = arith.andi %ne3A_428, %ne3A_423 : i1
      %add3A_430 = arith.addi %rem3A_421, %select_n3A_420 : i32
      %select_n3A_431 = arith.select %and3A_429, %add3A_430, %rem3A_421 : i32
      %mul3A_432 = arith.constant 2 : i32
      %mul3A_433 = arith.muli %mul3A_432, %select_n3A_431 : i32
      %add3A_434 = arith.constant 1 : i32
      %add3A_435 = arith.addi %mul3A_433, %add3A_434 : i32
      %dma_start3A_436 = arith.constant 0 : i32
      %dma_start3A_437 = arith.constant 0 : i32
      %dma_start3A_438 = tpu.memref_slice %arg3[%select_n3A_415, %add3A_435, %dma_start3A_436, %dma_start3A_437] : memref<4x224x224x192xf32, #tpu.memory_space<hbm>> -> memref<1x1x56x192xf32, #tpu.memory_space<hbm>>
      %dma_start3A_439 = tpu.memref_squeeze %dma_start3A_438 : memref<1x1x56x192xf32, #tpu.memory_space<hbm>> -> memref<56x192xf32, #tpu.memory_space<hbm>>
      %dma_start3A_440 = arith.constant 0 : i32
      %dma_start3A_441 = arith.constant 0 : i32
      %dma_start3A_442 = tpu.memref_slice %arg3[%select_n3A_415, %add3A_435, %dma_start3A_440, %dma_start3A_441] : memref<4x224x224x192xf32, #tpu.memory_space<hbm>> -> memref<1x1x56x192xf32, #tpu.memory_space<hbm>>
      %dma_start3A_443 = tpu.memref_squeeze %dma_start3A_442 : memref<1x1x56x192xf32, #tpu.memory_space<hbm>> -> memref<56x192xf32, #tpu.memory_space<hbm>>
      tpu.enqueue_dma source(%arg7 : memref<56x192xf32, #tpu.memory_space<vmem>>) target(%dma_start3A_443 : memref<56x192xf32, #tpu.memory_space<hbm>>) target_semaphore(%arg11 : memref<!tpu.dma_semaphore, #tpu.memory_space<semaphore_mem>>)
      %mul3A_444 = arith.constant 2 : i32
      %mul3A_445 = arith.muli %mul3A_444, %select_n3A_431 : i32
      %add3A_446 = arith.constant 1 : i32
      %add3A_447 = arith.addi %mul3A_445, %add3A_446 : i32
      %dma_start3A_448 = arith.constant 56 : i32
      %dma_start3A_449 = arith.constant 0 : i32
      %dma_start3A_450 = tpu.memref_slice %arg3[%select_n3A_415, %add3A_447, %dma_start3A_448, %dma_start3A_449] : memref<4x224x224x192xf32, #tpu.memory_space<hbm>> -> memref<1x1x56x192xf32, #tpu.memory_space<hbm>>
      %dma_start3A_451 = tpu.memref_squeeze %dma_start3A_450 : memref<1x1x56x192xf32, #tpu.memory_space<hbm>> -> memref<56x192xf32, #tpu.memory_space<hbm>>
      %dma_start3A_452 = arith.constant 56 : i32
      %dma_start3A_453 = arith.constant 0 : i32
      %dma_start3A_454 = tpu.memref_slice %arg3[%select_n3A_415, %add3A_447, %dma_start3A_452, %dma_start3A_453] : memref<4x224x224x192xf32, #tpu.memory_space<hbm>> -> memref<1x1x56x192xf32, #tpu.memory_space<hbm>>
      %dma_start3A_455 = tpu.memref_squeeze %dma_start3A_454 : memref<1x1x56x192xf32, #tpu.memory_space<hbm>> -> memref<56x192xf32, #tpu.memory_space<hbm>>
      tpu.enqueue_dma source(%arg7 : memref<56x192xf32, #tpu.memory_space<vmem>>) target(%dma_start3A_455 : memref<56x192xf32, #tpu.memory_space<hbm>>) target_semaphore(%arg11 : memref<!tpu.dma_semaphore, #tpu.memory_space<semaphore_mem>>)
      %mul3A_456 = arith.constant 2 : i32
      %mul3A_457 = arith.muli %mul3A_456, %select_n3A_431 : i32
      %add3A_458 = arith.constant 1 : i32
      %add3A_459 = arith.addi %mul3A_457, %add3A_458 : i32
      %dma_start3A_460 = arith.constant 112 : i32
      %dma_start3A_461 = arith.constant 0 : i32
      %dma_start3A_462 = tpu.memref_slice %arg3[%select_n3A_415, %add3A_459, %dma_start3A_460, %dma_start3A_461] : memref<4x224x224x192xf32, #tpu.memory_space<hbm>> -> memref<1x1x56x192xf32, #tpu.memory_space<hbm>>
      %dma_start3A_463 = tpu.memref_squeeze %dma_start3A_462 : memref<1x1x56x192xf32, #tpu.memory_space<hbm>> -> memref<56x192xf32, #tpu.memory_space<hbm>>
      %dma_start3A_464 = arith.constant 112 : i32
      %dma_start3A_465 = arith.constant 0 : i32
      %dma_start3A_466 = tpu.memref_slice %arg3[%select_n3A_415, %add3A_459, %dma_start3A_464, %dma_start3A_465] : memref<4x224x224x192xf32, #tpu.memory_space<hbm>> -> memref<1x1x56x192xf32, #tpu.memory_space<hbm>>
      %dma_start3A_467 = tpu.memref_squeeze %dma_start3A_466 : memref<1x1x56x192xf32, #tpu.memory_space<hbm>> -> memref<56x192xf32, #tpu.memory_space<hbm>>
      tpu.enqueue_dma source(%arg7 : memref<56x192xf32, #tpu.memory_space<vmem>>) target(%dma_start3A_467 : memref<56x192xf32, #tpu.memory_space<hbm>>) target_semaphore(%arg11 : memref<!tpu.dma_semaphore, #tpu.memory_space<semaphore_mem>>)
      %mul3A_468 = arith.constant 2 : i32
      %mul3A_469 = arith.muli %mul3A_468, %select_n3A_431 : i32
      %add3A_470 = arith.constant 1 : i32
      %add3A_471 = arith.addi %mul3A_469, %add3A_470 : i32
      %dma_start3A_472 = arith.constant 168 : i32
      %dma_start3A_473 = arith.constant 0 : i32
      %dma_start3A_474 = tpu.memref_slice %arg3[%select_n3A_415, %add3A_471, %dma_start3A_472, %dma_start3A_473] : memref<4x224x224x192xf32, #tpu.memory_space<hbm>> -> memref<1x1x56x192xf32, #tpu.memory_space<hbm>>
      %dma_start3A_475 = tpu.memref_squeeze %dma_start3A_474 : memref<1x1x56x192xf32, #tpu.memory_space<hbm>> -> memref<56x192xf32, #tpu.memory_space<hbm>>
      %dma_start3A_476 = arith.constant 168 : i32
      %dma_start3A_477 = arith.constant 0 : i32
      %dma_start3A_478 = tpu.memref_slice %arg3[%select_n3A_415, %add3A_471, %dma_start3A_476, %dma_start3A_477] : memref<4x224x224x192xf32, #tpu.memory_space<hbm>> -> memref<1x1x56x192xf32, #tpu.memory_space<hbm>>
      %dma_start3A_479 = tpu.memref_squeeze %dma_start3A_478 : memref<1x1x56x192xf32, #tpu.memory_space<hbm>> -> memref<56x192xf32, #tpu.memory_space<hbm>>
      tpu.enqueue_dma source(%arg7 : memref<56x192xf32, #tpu.memory_space<vmem>>) target(%dma_start3A_479 : memref<56x192xf32, #tpu.memory_space<hbm>>) target_semaphore(%arg11 : memref<!tpu.dma_semaphore, #tpu.memory_space<semaphore_mem>>)
      %mul3A_480 = arith.constant 14 : i32
      %mul3A_481 = arith.muli %add3A, %mul3A_480 : i32
      %add3A_482 = arith.addi %mul3A_481, %mul3A_213 : i32
      %jit3A_483 = arith.constant 112 : i32
      %div3A_484 = arith.divsi %add3A_482, %jit3A_483 : i32
      %sign3A_485 = arith.constant 0 : i32
      %sign3A_486 = arith.cmpi sgt, %add3A_482, %sign3A_485 : i32
      %sign3A_487 = arith.extui %sign3A_486 : i1 to i32
      %sign3A_488 = arith.constant 0 : i32
      %sign3A_489 = arith.cmpi slt, %add3A_482, %sign3A_488 : i32
      %sign3A_490 = arith.extui %sign3A_489 : i1 to i32
      %sign3A_491 = arith.subi %sign3A_487, %sign3A_490 : i32
      %sign3A_492 = arith.constant 0 : i32
      %sign3A_493 = arith.cmpi sgt, %jit3A_483, %sign3A_492 : i32
      %sign3A_494 = arith.extui %sign3A_493 : i1 to i32
      %sign3A_495 = arith.constant 0 : i32
      %sign3A_496 = arith.cmpi slt, %jit3A_483, %sign3A_495 : i32
      %sign3A_497 = arith.extui %sign3A_496 : i1 to i32
      %sign3A_498 = arith.subi %sign3A_494, %sign3A_497 : i32
      %ne3A_499 = arith.cmpi ne, %sign3A_491, %sign3A_498 : i32
      %rem3A_500 = arith.remsi %add3A_482, %jit3A_483 : i32
      %ne3A_501 = arith.constant 0 : i32
      %ne3A_502 = arith.cmpi ne, %rem3A_500, %ne3A_501 : i32
      %and3A_503 = arith.andi %ne3A_499, %ne3A_502 : i1
      %sub3A_504 = arith.constant 1 : i32
      %sub3A_505 = arith.subi %div3A_484, %sub3A_504 : i32
      %select_n3A_506 = arith.select %and3A_503, %sub3A_505, %div3A_484 : i32
      %jit3A_507 = arith.constant 112 : i32
      %eq3A_508 = arith.constant 0 : i32
      %eq3A_509 = arith.cmpi eq, %jit3A_507, %eq3A_508 : i32
      %jit3A_510 = arith.constant 1 : i32
      %select_n3A_511 = arith.select %eq3A_509, %jit3A_510, %jit3A_507 : i32
      %rem3A_512 = arith.remsi %add3A_482, %select_n3A_511 : i32
      %ne3A_513 = arith.constant 0 : i32
      %ne3A_514 = arith.cmpi ne, %rem3A_512, %ne3A_513 : i32
      %lt3A_515 = arith.constant 0 : i32
      %lt3A_516 = arith.cmpi slt, %rem3A_512, %lt3A_515 : i32
      %lt3A_517 = arith.constant 0 : i32
      %lt3A_518 = arith.cmpi slt, %select_n3A_511, %lt3A_517 : i32
      %ne3A_519 = arith.xori %lt3A_516, %lt3A_518 : i1
      %and3A_520 = arith.andi %ne3A_519, %ne3A_514 : i1
      %add3A_521 = arith.addi %rem3A_512, %select_n3A_511 : i32
      %select_n3A_522 = arith.select %and3A_520, %add3A_521, %rem3A_512 : i32
      %mul3A_523 = arith.constant 2 : i32
      %mul3A_524 = arith.muli %mul3A_523, %select_n3A_522 : i32
      %add3A_525 = arith.constant 0 : i32
      %add3A_526 = arith.addi %mul3A_524, %add3A_525 : i32
      %dma_wait3A_527 = arith.constant 0 : i32
      %dma_wait3A_528 = arith.constant 0 : i32
      %dma_wait3A_529 = tpu.memref_slice %arg3[%select_n3A_506, %add3A_526, %dma_wait3A_527, %dma_wait3A_528] : memref<4x224x224x192xf32, #tpu.memory_space<hbm>> -> memref<1x1x224x192xf32, #tpu.memory_space<hbm>>
      %dma_wait3A_530 = tpu.memref_squeeze %dma_wait3A_529 : memref<1x1x224x192xf32, #tpu.memory_space<hbm>> -> memref<224x192xf32, #tpu.memory_space<hbm>>
      %dma_wait3A_531 = arith.constant 0 : i32
      %dma_wait3A_532 = arith.constant 0 : i32
      %dma_wait3A_533 = tpu.memref_slice %arg3[%select_n3A_506, %add3A_526, %dma_wait3A_531, %dma_wait3A_532] : memref<4x224x224x192xf32, #tpu.memory_space<hbm>> -> memref<1x1x224x192xf32, #tpu.memory_space<hbm>>
      %dma_wait3A_534 = tpu.memref_squeeze %dma_wait3A_533 : memref<1x1x224x192xf32, #tpu.memory_space<hbm>> -> memref<224x192xf32, #tpu.memory_space<hbm>>
      tpu.wait_dma2 semaphore(%arg10 : memref<!tpu.dma_semaphore, #tpu.memory_space<semaphore_mem>>) src(%arg6 : memref<224x192xf32, #tpu.memory_space<vmem>>) dst(%dma_wait3A_534 : memref<224x192xf32, #tpu.memory_space<hbm>>)
      %mul3A_535 = arith.constant 14 : i32
      %mul3A_536 = arith.muli %add3A, %mul3A_535 : i32
      %add3A_537 = arith.addi %mul3A_536, %add3A_217 : i32
      %jit3A_538 = arith.constant 112 : i32
      %div3A_539 = arith.divsi %add3A_537, %jit3A_538 : i32
      %sign3A_540 = arith.constant 0 : i32
      %sign3A_541 = arith.cmpi sgt, %add3A_537, %sign3A_540 : i32
      %sign3A_542 = arith.extui %sign3A_541 : i1 to i32
      %sign3A_543 = arith.constant 0 : i32
      %sign3A_544 = arith.cmpi slt, %add3A_537, %sign3A_543 : i32
      %sign3A_545 = arith.extui %sign3A_544 : i1 to i32
      %sign3A_546 = arith.subi %sign3A_542, %sign3A_545 : i32
      %sign3A_547 = arith.constant 0 : i32
      %sign3A_548 = arith.cmpi sgt, %jit3A_538, %sign3A_547 : i32
      %sign3A_549 = arith.extui %sign3A_548 : i1 to i32
      %sign3A_550 = arith.constant 0 : i32
      %sign3A_551 = arith.cmpi slt, %jit3A_538, %sign3A_550 : i32
      %sign3A_552 = arith.extui %sign3A_551 : i1 to i32
      %sign3A_553 = arith.subi %sign3A_549, %sign3A_552 : i32
      %ne3A_554 = arith.cmpi ne, %sign3A_546, %sign3A_553 : i32
      %rem3A_555 = arith.remsi %add3A_537, %jit3A_538 : i32
      %ne3A_556 = arith.constant 0 : i32
      %ne3A_557 = arith.cmpi ne, %rem3A_555, %ne3A_556 : i32
      %and3A_558 = arith.andi %ne3A_554, %ne3A_557 : i1
      %sub3A_559 = arith.constant 1 : i32
      %sub3A_560 = arith.subi %div3A_539, %sub3A_559 : i32
      %select_n3A_561 = arith.select %and3A_558, %sub3A_560, %div3A_539 : i32
      %jit3A_562 = arith.constant 112 : i32
      %eq3A_563 = arith.constant 0 : i32
      %eq3A_564 = arith.cmpi eq, %jit3A_562, %eq3A_563 : i32
      %jit3A_565 = arith.constant 1 : i32
      %select_n3A_566 = arith.select %eq3A_564, %jit3A_565, %jit3A_562 : i32
      %rem3A_567 = arith.remsi %add3A_537, %select_n3A_566 : i32
      %ne3A_568 = arith.constant 0 : i32
      %ne3A_569 = arith.cmpi ne, %rem3A_567, %ne3A_568 : i32
      %lt3A_570 = arith.constant 0 : i32
      %lt3A_571 = arith.cmpi slt, %rem3A_567, %lt3A_570 : i32
      %lt3A_572 = arith.constant 0 : i32
      %lt3A_573 = arith.cmpi slt, %select_n3A_566, %lt3A_572 : i32
      %ne3A_574 = arith.xori %lt3A_571, %lt3A_573 : i1
      %and3A_575 = arith.andi %ne3A_574, %ne3A_569 : i1
      %add3A_576 = arith.addi %rem3A_567, %select_n3A_566 : i32
      %select_n3A_577 = arith.select %and3A_575, %add3A_576, %rem3A_567 : i32
      %dma_wait3A_578 = arith.constant 0 : i32
      %dma_wait3A_579 = arith.constant 0 : i32
      %dma_wait3A_580 = tpu.memref_slice %arg2[%select_n3A_561, %select_n3A_577, %dma_wait3A_578, %dma_wait3A_579] : memref<4x112x112x192xf32, #tpu.memory_space<hbm>> -> memref<1x1x112x192xf32, #tpu.memory_space<hbm>>
      %dma_wait3A_581 = tpu.memref_squeeze %dma_wait3A_580 : memref<1x1x112x192xf32, #tpu.memory_space<hbm>> -> memref<112x192xf32, #tpu.memory_space<hbm>>
      %dma_wait3A_582 = arith.constant 0 : i32
      %dma_wait3A_583 = arith.constant 0 : i32
      %dma_wait3A_584 = tpu.memref_slice %arg2[%select_n3A_561, %select_n3A_577, %dma_wait3A_582, %dma_wait3A_583] : memref<4x112x112x192xf32, #tpu.memory_space<hbm>> -> memref<1x1x112x192xf32, #tpu.memory_space<hbm>>
      %dma_wait3A_585 = tpu.memref_squeeze %dma_wait3A_584 : memref<1x1x112x192xf32, #tpu.memory_space<hbm>> -> memref<112x192xf32, #tpu.memory_space<hbm>>
      tpu.wait_dma2 semaphore(%arg9 : memref<!tpu.dma_semaphore, #tpu.memory_space<semaphore_mem>>) src(%dma_wait3A_585 : memref<112x192xf32, #tpu.memory_space<hbm>>) dst(%arg5 : memref<112x192xf32, #tpu.memory_space<vmem>>)
      %lt3A_586 = arith.constant 6 : i32
      %lt3A_587 = arith.cmpi slt, %scan3A_210, %lt3A_586 : i32
      %convert_element_type3A_588 = arith.extui %lt3A_587 : i1 to i32
      %cond3A_589 = arith.constant 0 : i32
      %cond3A_590 = arith.cmpi ne, %convert_element_type3A_588, %cond3A_589 : i32
      scf.if %cond3A_590 {
        %add3A_836 = arith.constant 1 : i32
        %add3A_837 = arith.addi %add3A_217, %add3A_836 : i32
        %mul3A_838 = arith.constant 14 : i32
        %mul3A_839 = arith.muli %add3A, %mul3A_838 : i32
        %add3A_840 = arith.addi %mul3A_839, %add3A_837 : i32
        %jit3A_841 = arith.constant 112 : i32
        %div3A_842 = arith.divsi %add3A_840, %jit3A_841 : i32
        %sign3A_843 = arith.constant 0 : i32
        %sign3A_844 = arith.cmpi sgt, %add3A_840, %sign3A_843 : i32
        %sign3A_845 = arith.extui %sign3A_844 : i1 to i32
        %sign3A_846 = arith.constant 0 : i32
        %sign3A_847 = arith.cmpi slt, %add3A_840, %sign3A_846 : i32
        %sign3A_848 = arith.extui %sign3A_847 : i1 to i32
        %sign3A_849 = arith.subi %sign3A_845, %sign3A_848 : i32
        %sign3A_850 = arith.constant 0 : i32
        %sign3A_851 = arith.cmpi sgt, %jit3A_841, %sign3A_850 : i32
        %sign3A_852 = arith.extui %sign3A_851 : i1 to i32
        %sign3A_853 = arith.constant 0 : i32
        %sign3A_854 = arith.cmpi slt, %jit3A_841, %sign3A_853 : i32
        %sign3A_855 = arith.extui %sign3A_854 : i1 to i32
        %sign3A_856 = arith.subi %sign3A_852, %sign3A_855 : i32
        %ne3A_857 = arith.cmpi ne, %sign3A_849, %sign3A_856 : i32
        %rem3A_858 = arith.remsi %add3A_840, %jit3A_841 : i32
        %ne3A_859 = arith.constant 0 : i32
        %ne3A_860 = arith.cmpi ne, %rem3A_858, %ne3A_859 : i32
        %and3A_861 = arith.andi %ne3A_857, %ne3A_860 : i1
        %sub3A_862 = arith.constant 1 : i32
        %sub3A_863 = arith.subi %div3A_842, %sub3A_862 : i32
        %select_n3A_864 = arith.select %and3A_861, %sub3A_863, %div3A_842 : i32
        %jit3A_865 = arith.constant 112 : i32
        %eq3A_866 = arith.constant 0 : i32
        %eq3A_867 = arith.cmpi eq, %jit3A_865, %eq3A_866 : i32
        %jit3A_868 = arith.constant 1 : i32
        %select_n3A_869 = arith.select %eq3A_867, %jit3A_868, %jit3A_865 : i32
        %rem3A_870 = arith.remsi %add3A_840, %select_n3A_869 : i32
        %ne3A_871 = arith.constant 0 : i32
        %ne3A_872 = arith.cmpi ne, %rem3A_870, %ne3A_871 : i32
        %lt3A_873 = arith.constant 0 : i32
        %lt3A_874 = arith.cmpi slt, %rem3A_870, %lt3A_873 : i32
        %lt3A_875 = arith.constant 0 : i32
        %lt3A_876 = arith.cmpi slt, %select_n3A_869, %lt3A_875 : i32
        %ne3A_877 = arith.xori %lt3A_874, %lt3A_876 : i1
        %and3A_878 = arith.andi %ne3A_877, %ne3A_872 : i1
        %add3A_879 = arith.addi %rem3A_870, %select_n3A_869 : i32
        %select_n3A_880 = arith.select %and3A_878, %add3A_879, %rem3A_870 : i32
        %dma_start3A_881 = arith.constant 0 : i32
        %dma_start3A_882 = arith.constant 0 : i32
        %dma_start3A_883 = tpu.memref_slice %arg2[%select_n3A_864, %select_n3A_880, %dma_start3A_881, %dma_start3A_882] : memref<4x112x112x192xf32, #tpu.memory_space<hbm>> -> memref<1x1x112x192xf32, #tpu.memory_space<hbm>>
        %dma_start3A_884 = tpu.memref_squeeze %dma_start3A_883 : memref<1x1x112x192xf32, #tpu.memory_space<hbm>> -> memref<112x192xf32, #tpu.memory_space<hbm>>
        %dma_start3A_885 = arith.constant 0 : i32
        %dma_start3A_886 = arith.constant 0 : i32
        %dma_start3A_887 = tpu.memref_slice %arg2[%select_n3A_864, %select_n3A_880, %dma_start3A_885, %dma_start3A_886] : memref<4x112x112x192xf32, #tpu.memory_space<hbm>> -> memref<1x1x112x192xf32, #tpu.memory_space<hbm>>
        %dma_start3A_888 = tpu.memref_squeeze %dma_start3A_887 : memref<1x1x112x192xf32, #tpu.memory_space<hbm>> -> memref<112x192xf32, #tpu.memory_space<hbm>>
        tpu.enqueue_dma source(%dma_start3A_888 : memref<112x192xf32, #tpu.memory_space<hbm>>) target(%arg4 : memref<112x192xf32, #tpu.memory_space<vmem>>) target_semaphore(%arg8 : memref<!tpu.dma_semaphore, #tpu.memory_space<semaphore_mem>>)
      } else {
      }
      %scan3A_591 = arith.constant 0 : i32
      %scan3A_592 = arith.constant 0 : i32
      %scan3A_593 = arith.constant 112 : i32
      %scan3A_594 = arith.addi %scan3A_592, %scan3A_593 : i32
      %scan3A_595 = arith.constant 1 : i32
      %scan3A_596 = scf.for %scan3A_836 = %scan3A_592 to %scan3A_594 step %scan3A_595 iter_args(%scan3A_837 = %scan3A_591) -> (i32)  : i32 {
        %get3A = arith.index_cast %scan3A_836 : i32 to index
        %get3A_838 = arith.constant 0 : index
        %get3A_839 = tpu.vector_load %arg5[%get3A, %get3A_838] {strides = array<i32>} : memref<112x192xf32, #tpu.memory_space<vmem>>, vector<1x16xf32>,
        %get3A_840 = vector.shape_cast %get3A_839 : vector<1x16xf32> to vector<16xf32>
        %mul3A_841 = arith.constant 2 : i32
        %mul3A_842 = arith.muli %mul3A_841, %scan3A_836 : i32
        %swap3A = arith.index_cast %mul3A_842 : i32 to index
        %swap3A_843 = arith.constant 0 : index
        %swap3A_844 = tpu.vector_load %arg6[%swap3A, %swap3A_843] {strides = array<i32>} : memref<224x192xf32, #tpu.memory_space<vmem>>, vector<1x16xf32>,
        %swap3A_845 = vector.shape_cast %swap3A_844 : vector<1x16xf32> to vector<16xf32>
        %swap3A_846 = vector.shape_cast %get3A_840 : vector<16xf32> to vector<1x16xf32>
        tpu.vector_store %arg6[%swap3A, %swap3A_843], %swap3A_846 {strides = array<i32>} : memref<224x192xf32, #tpu.memory_space<vmem>>, vector<1x16xf32>,
        %get3A_847 = arith.index_cast %scan3A_836 : i32 to index
        %get3A_848 = arith.constant 16 : index
        %get3A_849 = tpu.vector_load %arg5[%get3A_847, %get3A_848] {strides = array<i32>} : memref<112x192xf32, #tpu.memory_space<vmem>>, vector<1x16xf32>,
        %get3A_850 = vector.shape_cast %get3A_849 : vector<1x16xf32> to vector<16xf32>
        %mul3A_851 = arith.constant 2 : i32
        %mul3A_852 = arith.muli %mul3A_851, %scan3A_836 : i32
        %swap3A_853 = arith.index_cast %mul3A_852 : i32 to index
        %swap3A_854 = arith.constant 16 : index
        %swap3A_855 = tpu.vector_load %arg6[%swap3A_853, %swap3A_854] {strides = array<i32>} : memref<224x192xf32, #tpu.memory_space<vmem>>, vector<1x16xf32>,
        %swap3A_856 = vector.shape_cast %swap3A_855 : vector<1x16xf32> to vector<16xf32>
        %swap3A_857 = vector.shape_cast %get3A_850 : vector<16xf32> to vector<1x16xf32>
        tpu.vector_store %arg6[%swap3A_853, %swap3A_854], %swap3A_857 {strides = array<i32>} : memref<224x192xf32, #tpu.memory_space<vmem>>, vector<1x16xf32>,
        %get3A_858 = arith.index_cast %scan3A_836 : i32 to index
        %get3A_859 = arith.constant 32 : index
        %get3A_860 = tpu.vector_load %arg5[%get3A_858, %get3A_859] {strides = array<i32>} : memref<112x192xf32, #tpu.memory_space<vmem>>, vector<1x16xf32>,
        %get3A_861 = vector.shape_cast %get3A_860 : vector<1x16xf32> to vector<16xf32>
        %mul3A_862 = arith.constant 2 : i32
        %mul3A_863 = arith.muli %mul3A_862, %scan3A_836 : i32
        %swap3A_864 = arith.index_cast %mul3A_863 : i32 to index
        %swap3A_865 = arith.constant 32 : index
        %swap3A_866 = tpu.vector_load %arg6[%swap3A_864, %swap3A_865] {strides = array<i32>} : memref<224x192xf32, #tpu.memory_space<vmem>>, vector<1x16xf32>,
        %swap3A_867 = vector.shape_cast %swap3A_866 : vector<1x16xf32> to vector<16xf32>
        %swap3A_868 = vector.shape_cast %get3A_861 : vector<16xf32> to vector<1x16xf32>
        tpu.vector_store %arg6[%swap3A_864, %swap3A_865], %swap3A_868 {strides = array<i32>} : memref<224x192xf32, #tpu.memory_space<vmem>>, vector<1x16xf32>,
        %get3A_869 = arith.index_cast %scan3A_836 : i32 to index
        %get3A_870 = arith.constant 48 : index
        %get3A_871 = tpu.vector_load %arg5[%get3A_869, %get3A_870] {strides = array<i32>} : memref<112x192xf32, #tpu.memory_space<vmem>>, vector<1x16xf32>,
        %get3A_872 = vector.shape_cast %get3A_871 : vector<1x16xf32> to vector<16xf32>
        %mul3A_873 = arith.constant 2 : i32
        %mul3A_874 = arith.muli %mul3A_873, %scan3A_836 : i32
        %swap3A_875 = arith.index_cast %mul3A_874 : i32 to index
        %swap3A_876 = arith.constant 48 : index
        %swap3A_877 = tpu.vector_load %arg6[%swap3A_875, %swap3A_876] {strides = array<i32>} : memref<224x192xf32, #tpu.memory_space<vmem>>, vector<1x16xf32>,
        %swap3A_878 = vector.shape_cast %swap3A_877 : vector<1x16xf32> to vector<16xf32>
        %swap3A_879 = vector.shape_cast %get3A_872 : vector<16xf32> to vector<1x16xf32>
        tpu.vector_store %arg6[%swap3A_875, %swap3A_876], %swap3A_879 {strides = array<i32>} : memref<224x192xf32, #tpu.memory_space<vmem>>, vector<1x16xf32>,
        %get3A_880 = arith.index_cast %scan3A_836 : i32 to index
        %get3A_881 = arith.constant 64 : index
        %get3A_882 = tpu.vector_load %arg5[%get3A_880, %get3A_881] {strides = array<i32>} : memref<112x192xf32, #tpu.memory_space<vmem>>, vector<1x16xf32>,
        %get3A_883 = vector.shape_cast %get3A_882 : vector<1x16xf32> to vector<16xf32>
        %mul3A_884 = arith.constant 2 : i32
        %mul3A_885 = arith.muli %mul3A_884, %scan3A_836 : i32
        %swap3A_886 = arith.index_cast %mul3A_885 : i32 to index
        %swap3A_887 = arith.constant 64 : index
        %swap3A_888 = tpu.vector_load %arg6[%swap3A_886, %swap3A_887] {strides = array<i32>} : memref<224x192xf32, #tpu.memory_space<vmem>>, vector<1x16xf32>,
        %swap3A_889 = vector.shape_cast %swap3A_888 : vector<1x16xf32> to vector<16xf32>
        %swap3A_890 = vector.shape_cast %get3A_883 : vector<16xf32> to vector<1x16xf32>
        tpu.vector_store %arg6[%swap3A_886, %swap3A_887], %swap3A_890 {strides = array<i32>} : memref<224x192xf32, #tpu.memory_space<vmem>>, vector<1x16xf32>,
        %get3A_891 = arith.index_cast %scan3A_836 : i32 to index
        %get3A_892 = arith.constant 80 : index
        %get3A_893 = tpu.vector_load %arg5[%get3A_891, %get3A_892] {strides = array<i32>} : memref<112x192xf32, #tpu.memory_space<vmem>>, vector<1x16xf32>,
        %get3A_894 = vector.shape_cast %get3A_893 : vector<1x16xf32> to vector<16xf32>
        %mul3A_895 = arith.constant 2 : i32
        %mul3A_896 = arith.muli %mul3A_895, %scan3A_836 : i32
        %swap3A_897 = arith.index_cast %mul3A_896 : i32 to index
        %swap3A_898 = arith.constant 80 : index
        %swap3A_899 = tpu.vector_load %arg6[%swap3A_897, %swap3A_898] {strides = array<i32>} : memref<224x192xf32, #tpu.memory_space<vmem>>, vector<1x16xf32>,
        %swap3A_900 = vector.shape_cast %swap3A_899 : vector<1x16xf32> to vector<16xf32>
        %swap3A_901 = vector.shape_cast %get3A_894 : vector<16xf32> to vector<1x16xf32>
        tpu.vector_store %arg6[%swap3A_897, %swap3A_898], %swap3A_901 {strides = array<i32>} : memref<224x192xf32, #tpu.memory_space<vmem>>, vector<1x16xf32>,
        %get3A_902 = arith.index_cast %scan3A_836 : i32 to index
        %get3A_903 = arith.constant 96 : index
        %get3A_904 = tpu.vector_load %arg5[%get3A_902, %get3A_903] {strides = array<i32>} : memref<112x192xf32, #tpu.memory_space<vmem>>, vector<1x16xf32>,
        %get3A_905 = vector.shape_cast %get3A_904 : vector<1x16xf32> to vector<16xf32>
        %mul3A_906 = arith.constant 2 : i32
        %mul3A_907 = arith.muli %mul3A_906, %scan3A_836 : i32
        %swap3A_908 = arith.index_cast %mul3A_907 : i32 to index
        %swap3A_909 = arith.constant 96 : index
        %swap3A_910 = tpu.vector_load %arg6[%swap3A_908, %swap3A_909] {strides = array<i32>} : memref<224x192xf32, #tpu.memory_space<vmem>>, vector<1x16xf32>,
        %swap3A_911 = vector.shape_cast %swap3A_910 : vector<1x16xf32> to vector<16xf32>
        %swap3A_912 = vector.shape_cast %get3A_905 : vector<16xf32> to vector<1x16xf32>
        tpu.vector_store %arg6[%swap3A_908, %swap3A_909], %swap3A_912 {strides = array<i32>} : memref<224x192xf32, #tpu.memory_space<vmem>>, vector<1x16xf32>,
        %get3A_913 = arith.index_cast %scan3A_836 : i32 to index
        %get3A_914 = arith.constant 112 : index
        %get3A_915 = tpu.vector_load %arg5[%get3A_913, %get3A_914] {strides = array<i32>} : memref<112x192xf32, #tpu.memory_space<vmem>>, vector<1x16xf32>,
        %get3A_916 = vector.shape_cast %get3A_915 : vector<1x16xf32> to vector<16xf32>
        %mul3A_917 = arith.constant 2 : i32
        %mul3A_918 = arith.muli %mul3A_917, %scan3A_836 : i32
        %swap3A_919 = arith.index_cast %mul3A_918 : i32 to index
        %swap3A_920 = arith.constant 112 : index
        %swap3A_921 = tpu.vector_load %arg6[%swap3A_919, %swap3A_920] {strides = array<i32>} : memref<224x192xf32, #tpu.memory_space<vmem>>, vector<1x16xf32>,
        %swap3A_922 = vector.shape_cast %swap3A_921 : vector<1x16xf32> to vector<16xf32>
        %swap3A_923 = vector.shape_cast %get3A_916 : vector<16xf32> to vector<1x16xf32>
        tpu.vector_store %arg6[%swap3A_919, %swap3A_920], %swap3A_923 {strides = array<i32>} : memref<224x192xf32, #tpu.memory_space<vmem>>, vector<1x16xf32>,
        %get3A_924 = arith.index_cast %scan3A_836 : i32 to index
        %get3A_925 = arith.constant 128 : index
        %get3A_926 = tpu.vector_load %arg5[%get3A_924, %get3A_925] {strides = array<i32>} : memref<112x192xf32, #tpu.memory_space<vmem>>, vector<1x16xf32>,
        %get3A_927 = vector.shape_cast %get3A_926 : vector<1x16xf32> to vector<16xf32>
        %mul3A_928 = arith.constant 2 : i32
        %mul3A_929 = arith.muli %mul3A_928, %scan3A_836 : i32
        %swap3A_930 = arith.index_cast %mul3A_929 : i32 to index
        %swap3A_931 = arith.constant 128 : index
        %swap3A_932 = tpu.vector_load %arg6[%swap3A_930, %swap3A_931] {strides = array<i32>} : memref<224x192xf32, #tpu.memory_space<vmem>>, vector<1x16xf32>,
        %swap3A_933 = vector.shape_cast %swap3A_932 : vector<1x16xf32> to vector<16xf32>
        %swap3A_934 = vector.shape_cast %get3A_927 : vector<16xf32> to vector<1x16xf32>
        tpu.vector_store %arg6[%swap3A_930, %swap3A_931], %swap3A_934 {strides = array<i32>} : memref<224x192xf32, #tpu.memory_space<vmem>>, vector<1x16xf32>,
        %get3A_935 = arith.index_cast %scan3A_836 : i32 to index
        %get3A_936 = arith.constant 144 : index
        %get3A_937 = tpu.vector_load %arg5[%get3A_935, %get3A_936] {strides = array<i32>} : memref<112x192xf32, #tpu.memory_space<vmem>>, vector<1x16xf32>,
        %get3A_938 = vector.shape_cast %get3A_937 : vector<1x16xf32> to vector<16xf32>
        %mul3A_939 = arith.constant 2 : i32
        %mul3A_940 = arith.muli %mul3A_939, %scan3A_836 : i32
        %swap3A_941 = arith.index_cast %mul3A_940 : i32 to index
        %swap3A_942 = arith.constant 144 : index
        %swap3A_943 = tpu.vector_load %arg6[%swap3A_941, %swap3A_942] {strides = array<i32>} : memref<224x192xf32, #tpu.memory_space<vmem>>, vector<1x16xf32>,
        %swap3A_944 = vector.shape_cast %swap3A_943 : vector<1x16xf32> to vector<16xf32>
        %swap3A_945 = vector.shape_cast %get3A_938 : vector<16xf32> to vector<1x16xf32>
        tpu.vector_store %arg6[%swap3A_941, %swap3A_942], %swap3A_945 {strides = array<i32>} : memref<224x192xf32, #tpu.memory_space<vmem>>, vector<1x16xf32>,
        %get3A_946 = arith.index_cast %scan3A_836 : i32 to index
        %get3A_947 = arith.constant 160 : index
        %get3A_948 = tpu.vector_load %arg5[%get3A_946, %get3A_947] {strides = array<i32>} : memref<112x192xf32, #tpu.memory_space<vmem>>, vector<1x16xf32>,
        %get3A_949 = vector.shape_cast %get3A_948 : vector<1x16xf32> to vector<16xf32>
        %mul3A_950 = arith.constant 2 : i32
        %mul3A_951 = arith.muli %mul3A_950, %scan3A_836 : i32
        %swap3A_952 = arith.index_cast %mul3A_951 : i32 to index
        %swap3A_953 = arith.constant 160 : index
        %swap3A_954 = tpu.vector_load %arg6[%swap3A_952, %swap3A_953] {strides = array<i32>} : memref<224x192xf32, #tpu.memory_space<vmem>>, vector<1x16xf32>,
        %swap3A_955 = vector.shape_cast %swap3A_954 : vector<1x16xf32> to vector<16xf32>
        %swap3A_956 = vector.shape_cast %get3A_949 : vector<16xf32> to vector<1x16xf32>
        tpu.vector_store %arg6[%swap3A_952, %swap3A_953], %swap3A_956 {strides = array<i32>} : memref<224x192xf32, #tpu.memory_space<vmem>>, vector<1x16xf32>,
        %get3A_957 = arith.index_cast %scan3A_836 : i32 to index
        %get3A_958 = arith.constant 176 : index
        %get3A_959 = tpu.vector_load %arg5[%get3A_957, %get3A_958] {strides = array<i32>} : memref<112x192xf32, #tpu.memory_space<vmem>>, vector<1x16xf32>,
        %get3A_960 = vector.shape_cast %get3A_959 : vector<1x16xf32> to vector<16xf32>
        %mul3A_961 = arith.constant 2 : i32
        %mul3A_962 = arith.muli %mul3A_961, %scan3A_836 : i32
        %swap3A_963 = arith.index_cast %mul3A_962 : i32 to index
        %swap3A_964 = arith.constant 176 : index
        %swap3A_965 = tpu.vector_load %arg6[%swap3A_963, %swap3A_964] {strides = array<i32>} : memref<224x192xf32, #tpu.memory_space<vmem>>, vector<1x16xf32>,
        %swap3A_966 = vector.shape_cast %swap3A_965 : vector<1x16xf32> to vector<16xf32>
        %swap3A_967 = vector.shape_cast %get3A_960 : vector<16xf32> to vector<1x16xf32>
        tpu.vector_store %arg6[%swap3A_963, %swap3A_964], %swap3A_967 {strides = array<i32>} : memref<224x192xf32, #tpu.memory_space<vmem>>, vector<1x16xf32>,
        %scan3A_968 = arith.constant 0 : i32
        scf.yield %scan3A_968 : i32
      }
      %scan3A_597 = arith.constant 112 : i32
      %mul3A_598 = arith.constant 14 : i32
      %mul3A_599 = arith.muli %add3A, %mul3A_598 : i32
      %add3A_600 = arith.addi %mul3A_599, %add3A_217 : i32
      %jit3A_601 = arith.constant 112 : i32
      %div3A_602 = arith.divsi %add3A_600, %jit3A_601 : i32
      %sign3A_603 = arith.constant 0 : i32
      %sign3A_604 = arith.cmpi sgt, %add3A_600, %sign3A_603 : i32
      %sign3A_605 = arith.extui %sign3A_604 : i1 to i32
      %sign3A_606 = arith.constant 0 : i32
      %sign3A_607 = arith.cmpi slt, %add3A_600, %sign3A_606 : i32
      %sign3A_608 = arith.extui %sign3A_607 : i1 to i32
      %sign3A_609 = arith.subi %sign3A_605, %sign3A_608 : i32
      %sign3A_610 = arith.constant 0 : i32
      %sign3A_611 = arith.cmpi sgt, %jit3A_601, %sign3A_610 : i32
      %sign3A_612 = arith.extui %sign3A_611 : i1 to i32
      %sign3A_613 = arith.constant 0 : i32
      %sign3A_614 = arith.cmpi slt, %jit3A_601, %sign3A_613 : i32
      %sign3A_615 = arith.extui %sign3A_614 : i1 to i32
      %sign3A_616 = arith.subi %sign3A_612, %sign3A_615 : i32
      %ne3A_617 = arith.cmpi ne, %sign3A_609, %sign3A_616 : i32
      %rem3A_618 = arith.remsi %add3A_600, %jit3A_601 : i32
      %ne3A_619 = arith.constant 0 : i32
      %ne3A_620 = arith.cmpi ne, %rem3A_618, %ne3A_619 : i32
      %and3A_621 = arith.andi %ne3A_617, %ne3A_620 : i1
      %sub3A_622 = arith.constant 1 : i32
      %sub3A_623 = arith.subi %div3A_602, %sub3A_622 : i32
      %select_n3A_624 = arith.select %and3A_621, %sub3A_623, %div3A_602 : i32
      %jit3A_625 = arith.constant 112 : i32
      %eq3A_626 = arith.constant 0 : i32
      %eq3A_627 = arith.cmpi eq, %jit3A_625, %eq3A_626 : i32
      %jit3A_628 = arith.constant 1 : i32
      %select_n3A_629 = arith.select %eq3A_627, %jit3A_628, %jit3A_625 : i32
      %rem3A_630 = arith.remsi %add3A_600, %select_n3A_629 : i32
      %ne3A_631 = arith.constant 0 : i32
      %ne3A_632 = arith.cmpi ne, %rem3A_630, %ne3A_631 : i32
      %lt3A_633 = arith.constant 0 : i32
      %lt3A_634 = arith.cmpi slt, %rem3A_630, %lt3A_633 : i32
      %lt3A_635 = arith.constant 0 : i32
      %lt3A_636 = arith.cmpi slt, %select_n3A_629, %lt3A_635 : i32
      %ne3A_637 = arith.xori %lt3A_634, %lt3A_636 : i1
      %and3A_638 = arith.andi %ne3A_637, %ne3A_632 : i1
      %add3A_639 = arith.addi %rem3A_630, %select_n3A_629 : i32
      %select_n3A_640 = arith.select %and3A_638, %add3A_639, %rem3A_630 : i32
      %mul3A_641 = arith.constant 2 : i32
      %mul3A_642 = arith.muli %mul3A_641, %select_n3A_640 : i32
      %add3A_643 = arith.constant 0 : i32
      %add3A_644 = arith.addi %mul3A_642, %add3A_643 : i32
      %dma_start3A_645 = arith.constant 0 : i32
      %dma_start3A_646 = arith.constant 0 : i32
      %dma_start3A_647 = tpu.memref_slice %arg3[%select_n3A_624, %add3A_644, %dma_start3A_645, %dma_start3A_646] : memref<4x224x224x192xf32, #tpu.memory_space<hbm>> -> memref<1x1x224x192xf32, #tpu.memory_space<hbm>>
      %dma_start3A_648 = tpu.memref_squeeze %dma_start3A_647 : memref<1x1x224x192xf32, #tpu.memory_space<hbm>> -> memref<224x192xf32, #tpu.memory_space<hbm>>
      %dma_start3A_649 = arith.constant 0 : i32
      %dma_start3A_650 = arith.constant 0 : i32
      %dma_start3A_651 = tpu.memref_slice %arg3[%select_n3A_624, %add3A_644, %dma_start3A_649, %dma_start3A_650] : memref<4x224x224x192xf32, #tpu.memory_space<hbm>> -> memref<1x1x224x192xf32, #tpu.memory_space<hbm>>
      %dma_start3A_652 = tpu.memref_squeeze %dma_start3A_651 : memref<1x1x224x192xf32, #tpu.memory_space<hbm>> -> memref<224x192xf32, #tpu.memory_space<hbm>>
      tpu.enqueue_dma source(%arg6 : memref<224x192xf32, #tpu.memory_space<vmem>>) target(%dma_start3A_652 : memref<224x192xf32, #tpu.memory_space<hbm>>) target_semaphore(%arg10 : memref<!tpu.dma_semaphore, #tpu.memory_space<semaphore_mem>>)
      %mul3A_653 = arith.constant 14 : i32
      %mul3A_654 = arith.muli %add3A, %mul3A_653 : i32
      %add3A_655 = arith.addi %mul3A_654, %mul3A_213 : i32
      %jit3A_656 = arith.constant 112 : i32
      %div3A_657 = arith.divsi %add3A_655, %jit3A_656 : i32
      %sign3A_658 = arith.constant 0 : i32
      %sign3A_659 = arith.cmpi sgt, %add3A_655, %sign3A_658 : i32
      %sign3A_660 = arith.extui %sign3A_659 : i1 to i32
      %sign3A_661 = arith.constant 0 : i32
      %sign3A_662 = arith.cmpi slt, %add3A_655, %sign3A_661 : i32
      %sign3A_663 = arith.extui %sign3A_662 : i1 to i32
      %sign3A_664 = arith.subi %sign3A_660, %sign3A_663 : i32
      %sign3A_665 = arith.constant 0 : i32
      %sign3A_666 = arith.cmpi sgt, %jit3A_656, %sign3A_665 : i32
      %sign3A_667 = arith.extui %sign3A_666 : i1 to i32
      %sign3A_668 = arith.constant 0 : i32
      %sign3A_669 = arith.cmpi slt, %jit3A_656, %sign3A_668 : i32
      %sign3A_670 = arith.extui %sign3A_669 : i1 to i32
      %sign3A_671 = arith.subi %sign3A_667, %sign3A_670 : i32
      %ne3A_672 = arith.cmpi ne, %sign3A_664, %sign3A_671 : i32
      %rem3A_673 = arith.remsi %add3A_655, %jit3A_656 : i32
      %ne3A_674 = arith.constant 0 : i32
      %ne3A_675 = arith.cmpi ne, %rem3A_673, %ne3A_674 : i32
      %and3A_676 = arith.andi %ne3A_672, %ne3A_675 : i1
      %sub3A_677 = arith.constant 1 : i32
      %sub3A_678 = arith.subi %div3A_657, %sub3A_677 : i32
      %select_n3A_679 = arith.select %and3A_676, %sub3A_678, %div3A_657 : i32
      %jit3A_680 = arith.constant 112 : i32
      %eq3A_681 = arith.constant 0 : i32
      %eq3A_682 = arith.cmpi eq, %jit3A_680, %eq3A_681 : i32
      %jit3A_683 = arith.constant 1 : i32
      %select_n3A_684 = arith.select %eq3A_682, %jit3A_683, %jit3A_680 : i32
      %rem3A_685 = arith.remsi %add3A_655, %select_n3A_684 : i32
      %ne3A_686 = arith.constant 0 : i32
      %ne3A_687 = arith.cmpi ne, %rem3A_685, %ne3A_686 : i32
      %lt3A_688 = arith.constant 0 : i32
      %lt3A_689 = arith.cmpi slt, %rem3A_685, %lt3A_688 : i32
      %lt3A_690 = arith.constant 0 : i32
      %lt3A_691 = arith.cmpi slt, %select_n3A_684, %lt3A_690 : i32
      %ne3A_692 = arith.xori %lt3A_689, %lt3A_691 : i1
      %and3A_693 = arith.andi %ne3A_692, %ne3A_687 : i1
      %add3A_694 = arith.addi %rem3A_685, %select_n3A_684 : i32
      %select_n3A_695 = arith.select %and3A_693, %add3A_694, %rem3A_685 : i32
      %mul3A_696 = arith.constant 2 : i32
      %mul3A_697 = arith.muli %mul3A_696, %select_n3A_695 : i32
      %add3A_698 = arith.constant 1 : i32
      %add3A_699 = arith.addi %mul3A_697, %add3A_698 : i32
      %dma_wait3A_700 = arith.constant 0 : i32
      %dma_wait3A_701 = arith.constant 0 : i32
      %dma_wait3A_702 = tpu.memref_slice %arg3[%select_n3A_679, %add3A_699, %dma_wait3A_700, %dma_wait3A_701] : memref<4x224x224x192xf32, #tpu.memory_space<hbm>> -> memref<1x1x56x192xf32, #tpu.memory_space<hbm>>
      %dma_wait3A_703 = tpu.memref_squeeze %dma_wait3A_702 : memref<1x1x56x192xf32, #tpu.memory_space<hbm>> -> memref<56x192xf32, #tpu.memory_space<hbm>>
      %dma_wait3A_704 = arith.constant 0 : i32
      %dma_wait3A_705 = arith.constant 0 : i32
      %dma_wait3A_706 = tpu.memref_slice %arg3[%select_n3A_679, %add3A_699, %dma_wait3A_704, %dma_wait3A_705] : memref<4x224x224x192xf32, #tpu.memory_space<hbm>> -> memref<1x1x56x192xf32, #tpu.memory_space<hbm>>
      %dma_wait3A_707 = tpu.memref_squeeze %dma_wait3A_706 : memref<1x1x56x192xf32, #tpu.memory_space<hbm>> -> memref<56x192xf32, #tpu.memory_space<hbm>>
      tpu.wait_dma2 semaphore(%arg11 : memref<!tpu.dma_semaphore, #tpu.memory_space<semaphore_mem>>) src(%arg7 : memref<56x192xf32, #tpu.memory_space<vmem>>) dst(%dma_wait3A_707 : memref<56x192xf32, #tpu.memory_space<hbm>>)
      %mul3A_708 = arith.constant 2 : i32
      %mul3A_709 = arith.muli %mul3A_708, %select_n3A_695 : i32
      %add3A_710 = arith.constant 1 : i32
      %add3A_711 = arith.addi %mul3A_709, %add3A_710 : i32
      %dma_wait3A_712 = arith.constant 56 : i32
      %dma_wait3A_713 = arith.constant 0 : i32
      %dma_wait3A_714 = tpu.memref_slice %arg3[%select_n3A_679, %add3A_711, %dma_wait3A_712, %dma_wait3A_713] : memref<4x224x224x192xf32, #tpu.memory_space<hbm>> -> memref<1x1x56x192xf32, #tpu.memory_space<hbm>>
      %dma_wait3A_715 = tpu.memref_squeeze %dma_wait3A_714 : memref<1x1x56x192xf32, #tpu.memory_space<hbm>> -> memref<56x192xf32, #tpu.memory_space<hbm>>
      %dma_wait3A_716 = arith.constant 56 : i32
      %dma_wait3A_717 = arith.constant 0 : i32
      %dma_wait3A_718 = tpu.memref_slice %arg3[%select_n3A_679, %add3A_711, %dma_wait3A_716, %dma_wait3A_717] : memref<4x224x224x192xf32, #tpu.memory_space<hbm>> -> memref<1x1x56x192xf32, #tpu.memory_space<hbm>>
      %dma_wait3A_719 = tpu.memref_squeeze %dma_wait3A_718 : memref<1x1x56x192xf32, #tpu.memory_space<hbm>> -> memref<56x192xf32, #tpu.memory_space<hbm>>
      tpu.wait_dma2 semaphore(%arg11 : memref<!tpu.dma_semaphore, #tpu.memory_space<semaphore_mem>>) src(%arg7 : memref<56x192xf32, #tpu.memory_space<vmem>>) dst(%dma_wait3A_719 : memref<56x192xf32, #tpu.memory_space<hbm>>)
      %mul3A_720 = arith.constant 2 : i32
      %mul3A_721 = arith.muli %mul3A_720, %select_n3A_695 : i32
      %add3A_722 = arith.constant 1 : i32
      %add3A_723 = arith.addi %mul3A_721, %add3A_722 : i32
      %dma_wait3A_724 = arith.constant 112 : i32
      %dma_wait3A_725 = arith.constant 0 : i32
      %dma_wait3A_726 = tpu.memref_slice %arg3[%select_n3A_679, %add3A_723, %dma_wait3A_724, %dma_wait3A_725] : memref<4x224x224x192xf32, #tpu.memory_space<hbm>> -> memref<1x1x56x192xf32, #tpu.memory_space<hbm>>
      %dma_wait3A_727 = tpu.memref_squeeze %dma_wait3A_726 : memref<1x1x56x192xf32, #tpu.memory_space<hbm>> -> memref<56x192xf32, #tpu.memory_space<hbm>>
      %dma_wait3A_728 = arith.constant 112 : i32
      %dma_wait3A_729 = arith.constant 0 : i32
      %dma_wait3A_730 = tpu.memref_slice %arg3[%select_n3A_679, %add3A_723, %dma_wait3A_728, %dma_wait3A_729] : memref<4x224x224x192xf32, #tpu.memory_space<hbm>> -> memref<1x1x56x192xf32, #tpu.memory_space<hbm>>
      %dma_wait3A_731 = tpu.memref_squeeze %dma_wait3A_730 : memref<1x1x56x192xf32, #tpu.memory_space<hbm>> -> memref<56x192xf32, #tpu.memory_space<hbm>>
      tpu.wait_dma2 semaphore(%arg11 : memref<!tpu.dma_semaphore, #tpu.memory_space<semaphore_mem>>) src(%arg7 : memref<56x192xf32, #tpu.memory_space<vmem>>) dst(%dma_wait3A_731 : memref<56x192xf32, #tpu.memory_space<hbm>>)
      %mul3A_732 = arith.constant 2 : i32
      %mul3A_733 = arith.muli %mul3A_732, %select_n3A_695 : i32
      %add3A_734 = arith.constant 1 : i32
      %add3A_735 = arith.addi %mul3A_733, %add3A_734 : i32
      %dma_wait3A_736 = arith.constant 168 : i32
      %dma_wait3A_737 = arith.constant 0 : i32
      %dma_wait3A_738 = tpu.memref_slice %arg3[%select_n3A_679, %add3A_735, %dma_wait3A_736, %dma_wait3A_737] : memref<4x224x224x192xf32, #tpu.memory_space<hbm>> -> memref<1x1x56x192xf32, #tpu.memory_space<hbm>>
      %dma_wait3A_739 = tpu.memref_squeeze %dma_wait3A_738 : memref<1x1x56x192xf32, #tpu.memory_space<hbm>> -> memref<56x192xf32, #tpu.memory_space<hbm>>
      %dma_wait3A_740 = arith.constant 168 : i32
      %dma_wait3A_741 = arith.constant 0 : i32
      %dma_wait3A_742 = tpu.memref_slice %arg3[%select_n3A_679, %add3A_735, %dma_wait3A_740, %dma_wait3A_741] : memref<4x224x224x192xf32, #tpu.memory_space<hbm>> -> memref<1x1x56x192xf32, #tpu.memory_space<hbm>>
      %dma_wait3A_743 = tpu.memref_squeeze %dma_wait3A_742 : memref<1x1x56x192xf32, #tpu.memory_space<hbm>> -> memref<56x192xf32, #tpu.memory_space<hbm>>
      tpu.wait_dma2 semaphore(%arg11 : memref<!tpu.dma_semaphore, #tpu.memory_space<semaphore_mem>>) src(%arg7 : memref<56x192xf32, #tpu.memory_space<vmem>>) dst(%dma_wait3A_743 : memref<56x192xf32, #tpu.memory_space<hbm>>)
      %mul3A_744 = arith.constant 14 : i32
      %mul3A_745 = arith.muli %add3A, %mul3A_744 : i32
      %add3A_746 = arith.addi %mul3A_745, %add3A_217 : i32
      %jit3A_747 = arith.constant 112 : i32
      %div3A_748 = arith.divsi %add3A_746, %jit3A_747 : i32
      %sign3A_749 = arith.constant 0 : i32
      %sign3A_750 = arith.cmpi sgt, %add3A_746, %sign3A_749 : i32
      %sign3A_751 = arith.extui %sign3A_750 : i1 to i32
      %sign3A_752 = arith.constant 0 : i32
      %sign3A_753 = arith.cmpi slt, %add3A_746, %sign3A_752 : i32
      %sign3A_754 = arith.extui %sign3A_753 : i1 to i32
      %sign3A_755 = arith.subi %sign3A_751, %sign3A_754 : i32
      %sign3A_756 = arith.constant 0 : i32
      %sign3A_757 = arith.cmpi sgt, %jit3A_747, %sign3A_756 : i32
      %sign3A_758 = arith.extui %sign3A_757 : i1 to i32
      %sign3A_759 = arith.constant 0 : i32
      %sign3A_760 = arith.cmpi slt, %jit3A_747, %sign3A_759 : i32
      %sign3A_761 = arith.extui %sign3A_760 : i1 to i32
      %sign3A_762 = arith.subi %sign3A_758, %sign3A_761 : i32
      %ne3A_763 = arith.cmpi ne, %sign3A_755, %sign3A_762 : i32
      %rem3A_764 = arith.remsi %add3A_746, %jit3A_747 : i32
      %ne3A_765 = arith.constant 0 : i32
      %ne3A_766 = arith.cmpi ne, %rem3A_764, %ne3A_765 : i32
      %and3A_767 = arith.andi %ne3A_763, %ne3A_766 : i1
      %sub3A_768 = arith.constant 1 : i32
      %sub3A_769 = arith.subi %div3A_748, %sub3A_768 : i32
      %select_n3A_770 = arith.select %and3A_767, %sub3A_769, %div3A_748 : i32
      %jit3A_771 = arith.constant 112 : i32
      %eq3A_772 = arith.constant 0 : i32
      %eq3A_773 = arith.cmpi eq, %jit3A_771, %eq3A_772 : i32
      %jit3A_774 = arith.constant 1 : i32
      %select_n3A_775 = arith.select %eq3A_773, %jit3A_774, %jit3A_771 : i32
      %rem3A_776 = arith.remsi %add3A_746, %select_n3A_775 : i32
      %ne3A_777 = arith.constant 0 : i32
      %ne3A_778 = arith.cmpi ne, %rem3A_776, %ne3A_777 : i32
      %lt3A_779 = arith.constant 0 : i32
      %lt3A_780 = arith.cmpi slt, %rem3A_776, %lt3A_779 : i32
      %lt3A_781 = arith.constant 0 : i32
      %lt3A_782 = arith.cmpi slt, %select_n3A_775, %lt3A_781 : i32
      %ne3A_783 = arith.xori %lt3A_780, %lt3A_782 : i1
      %and3A_784 = arith.andi %ne3A_783, %ne3A_778 : i1
      %add3A_785 = arith.addi %rem3A_776, %select_n3A_775 : i32
      %select_n3A_786 = arith.select %and3A_784, %add3A_785, %rem3A_776 : i32
      %mul3A_787 = arith.constant 2 : i32
      %mul3A_788 = arith.muli %mul3A_787, %select_n3A_786 : i32
      %add3A_789 = arith.constant 1 : i32
      %add3A_790 = arith.addi %mul3A_788, %add3A_789 : i32
      %dma_start3A_791 = arith.constant 0 : i32
      %dma_start3A_792 = arith.constant 0 : i32
      %dma_start3A_793 = tpu.memref_slice %arg3[%select_n3A_770, %add3A_790, %dma_start3A_791, %dma_start3A_792] : memref<4x224x224x192xf32, #tpu.memory_space<hbm>> -> memref<1x1x56x192xf32, #tpu.memory_space<hbm>>
      %dma_start3A_794 = tpu.memref_squeeze %dma_start3A_793 : memref<1x1x56x192xf32, #tpu.memory_space<hbm>> -> memref<56x192xf32, #tpu.memory_space<hbm>>
      %dma_start3A_795 = arith.constant 0 : i32
      %dma_start3A_796 = arith.constant 0 : i32
      %dma_start3A_797 = tpu.memref_slice %arg3[%select_n3A_770, %add3A_790, %dma_start3A_795, %dma_start3A_796] : memref<4x224x224x192xf32, #tpu.memory_space<hbm>> -> memref<1x1x56x192xf32, #tpu.memory_space<hbm>>
      %dma_start3A_798 = tpu.memref_squeeze %dma_start3A_797 : memref<1x1x56x192xf32, #tpu.memory_space<hbm>> -> memref<56x192xf32, #tpu.memory_space<hbm>>
      tpu.enqueue_dma source(%arg7 : memref<56x192xf32, #tpu.memory_space<vmem>>) target(%dma_start3A_798 : memref<56x192xf32, #tpu.memory_space<hbm>>) target_semaphore(%arg11 : memref<!tpu.dma_semaphore, #tpu.memory_space<semaphore_mem>>)
      %mul3A_799 = arith.constant 2 : i32
      %mul3A_800 = arith.muli %mul3A_799, %select_n3A_786 : i32
      %add3A_801 = arith.constant 1 : i32
      %add3A_802 = arith.addi %mul3A_800, %add3A_801 : i32
      %dma_start3A_803 = arith.constant 56 : i32
      %dma_start3A_804 = arith.constant 0 : i32
      %dma_start3A_805 = tpu.memref_slice %arg3[%select_n3A_770, %add3A_802, %dma_start3A_803, %dma_start3A_804] : memref<4x224x224x192xf32, #tpu.memory_space<hbm>> -> memref<1x1x56x192xf32, #tpu.memory_space<hbm>>
      %dma_start3A_806 = tpu.memref_squeeze %dma_start3A_805 : memref<1x1x56x192xf32, #tpu.memory_space<hbm>> -> memref<56x192xf32, #tpu.memory_space<hbm>>
      %dma_start3A_807 = arith.constant 56 : i32
      %dma_start3A_808 = arith.constant 0 : i32
      %dma_start3A_809 = tpu.memref_slice %arg3[%select_n3A_770, %add3A_802, %dma_start3A_807, %dma_start3A_808] : memref<4x224x224x192xf32, #tpu.memory_space<hbm>> -> memref<1x1x56x192xf32, #tpu.memory_space<hbm>>
      %dma_start3A_810 = tpu.memref_squeeze %dma_start3A_809 : memref<1x1x56x192xf32, #tpu.memory_space<hbm>> -> memref<56x192xf32, #tpu.memory_space<hbm>>
      tpu.enqueue_dma source(%arg7 : memref<56x192xf32, #tpu.memory_space<vmem>>) target(%dma_start3A_810 : memref<56x192xf32, #tpu.memory_space<hbm>>) target_semaphore(%arg11 : memref<!tpu.dma_semaphore, #tpu.memory_space<semaphore_mem>>)
      %mul3A_811 = arith.constant 2 : i32
      %mul3A_812 = arith.muli %mul3A_811, %select_n3A_786 : i32
      %add3A_813 = arith.constant 1 : i32
      %add3A_814 = arith.addi %mul3A_812, %add3A_813 : i32
      %dma_start3A_815 = arith.constant 112 : i32
      %dma_start3A_816 = arith.constant 0 : i32
      %dma_start3A_817 = tpu.memref_slice %arg3[%select_n3A_770, %add3A_814, %dma_start3A_815, %dma_start3A_816] : memref<4x224x224x192xf32, #tpu.memory_space<hbm>> -> memref<1x1x56x192xf32, #tpu.memory_space<hbm>>
      %dma_start3A_818 = tpu.memref_squeeze %dma_start3A_817 : memref<1x1x56x192xf32, #tpu.memory_space<hbm>> -> memref<56x192xf32, #tpu.memory_space<hbm>>
      %dma_start3A_819 = arith.constant 112 : i32
      %dma_start3A_820 = arith.constant 0 : i32
      %dma_start3A_821 = tpu.memref_slice %arg3[%select_n3A_770, %add3A_814, %dma_start3A_819, %dma_start3A_820] : memref<4x224x224x192xf32, #tpu.memory_space<hbm>> -> memref<1x1x56x192xf32, #tpu.memory_space<hbm>>
      %dma_start3A_822 = tpu.memref_squeeze %dma_start3A_821 : memref<1x1x56x192xf32, #tpu.memory_space<hbm>> -> memref<56x192xf32, #tpu.memory_space<hbm>>
      tpu.enqueue_dma source(%arg7 : memref<56x192xf32, #tpu.memory_space<vmem>>) target(%dma_start3A_822 : memref<56x192xf32, #tpu.memory_space<hbm>>) target_semaphore(%arg11 : memref<!tpu.dma_semaphore, #tpu.memory_space<semaphore_mem>>)
      %mul3A_823 = arith.constant 2 : i32
      %mul3A_824 = arith.muli %mul3A_823, %select_n3A_786 : i32
      %add3A_825 = arith.constant 1 : i32
      %add3A_826 = arith.addi %mul3A_824, %add3A_825 : i32
      %dma_start3A_827 = arith.constant 168 : i32
      %dma_start3A_828 = arith.constant 0 : i32
      %dma_start3A_829 = tpu.memref_slice %arg3[%select_n3A_770, %add3A_826, %dma_start3A_827, %dma_start3A_828] : memref<4x224x224x192xf32, #tpu.memory_space<hbm>> -> memref<1x1x56x192xf32, #tpu.memory_space<hbm>>
      %dma_start3A_830 = tpu.memref_squeeze %dma_start3A_829 : memref<1x1x56x192xf32, #tpu.memory_space<hbm>> -> memref<56x192xf32, #tpu.memory_space<hbm>>
      %dma_start3A_831 = arith.constant 168 : i32
      %dma_start3A_832 = arith.constant 0 : i32
      %dma_start3A_833 = tpu.memref_slice %arg3[%select_n3A_770, %add3A_826, %dma_start3A_831, %dma_start3A_832] : memref<4x224x224x192xf32, #tpu.memory_space<hbm>> -> memref<1x1x56x192xf32, #tpu.memory_space<hbm>>
      %dma_start3A_834 = tpu.memref_squeeze %dma_start3A_833 : memref<1x1x56x192xf32, #tpu.memory_space<hbm>> -> memref<56x192xf32, #tpu.memory_space<hbm>>
      tpu.enqueue_dma source(%arg7 : memref<56x192xf32, #tpu.memory_space<vmem>>) target(%dma_start3A_834 : memref<56x192xf32, #tpu.memory_space<hbm>>) target_semaphore(%arg11 : memref<!tpu.dma_semaphore, #tpu.memory_space<semaphore_mem>>)
      %scan3A_835 = arith.constant 0 : i32
      scf.yield %scan3A_835 : i32
    }
    %scan3A_62 = arith.constant 7 : i32
    %mul3A_63 = arith.constant 14 : i32
    %mul3A_64 = arith.muli %add3A, %mul3A_63 : i32
    %add3A_65 = arith.constant 13 : i32
    %add3A_66 = arith.addi %mul3A_64, %add3A_65 : i32
    %jit3A_67 = arith.constant 112 : i32
    %div3A_68 = arith.divsi %add3A_66, %jit3A_67 : i32
    %sign3A_69 = arith.constant 0 : i32
    %sign3A_70 = arith.cmpi sgt, %add3A_66, %sign3A_69 : i32
    %sign3A_71 = arith.extui %sign3A_70 : i1 to i32
    %sign3A_72 = arith.constant 0 : i32
    %sign3A_73 = arith.cmpi slt, %add3A_66, %sign3A_72 : i32
    %sign3A_74 = arith.extui %sign3A_73 : i1 to i32
    %sign3A_75 = arith.subi %sign3A_71, %sign3A_74 : i32
    %sign3A_76 = arith.constant 0 : i32
    %sign3A_77 = arith.cmpi sgt, %jit3A_67, %sign3A_76 : i32
    %sign3A_78 = arith.extui %sign3A_77 : i1 to i32
    %sign3A_79 = arith.constant 0 : i32
    %sign3A_80 = arith.cmpi slt, %jit3A_67, %sign3A_79 : i32
    %sign3A_81 = arith.extui %sign3A_80 : i1 to i32
    %sign3A_82 = arith.subi %sign3A_78, %sign3A_81 : i32
    %ne3A_83 = arith.cmpi ne, %sign3A_75, %sign3A_82 : i32
    %rem3A_84 = arith.remsi %add3A_66, %jit3A_67 : i32
    %ne3A_85 = arith.constant 0 : i32
    %ne3A_86 = arith.cmpi ne, %rem3A_84, %ne3A_85 : i32
    %and3A_87 = arith.andi %ne3A_83, %ne3A_86 : i1
    %sub3A_88 = arith.constant 1 : i32
    %sub3A_89 = arith.subi %div3A_68, %sub3A_88 : i32
    %select_n3A_90 = arith.select %and3A_87, %sub3A_89, %div3A_68 : i32
    %jit3A_91 = arith.constant 112 : i32
    %eq3A_92 = arith.constant 0 : i32
    %eq3A_93 = arith.cmpi eq, %jit3A_91, %eq3A_92 : i32
    %jit3A_94 = arith.constant 1 : i32
    %select_n3A_95 = arith.select %eq3A_93, %jit3A_94, %jit3A_91 : i32
    %rem3A_96 = arith.remsi %add3A_66, %select_n3A_95 : i32
    %ne3A_97 = arith.constant 0 : i32
    %ne3A_98 = arith.cmpi ne, %rem3A_96, %ne3A_97 : i32
    %lt3A_99 = arith.constant 0 : i32
    %lt3A_100 = arith.cmpi slt, %rem3A_96, %lt3A_99 : i32
    %lt3A_101 = arith.constant 0 : i32
    %lt3A_102 = arith.cmpi slt, %select_n3A_95, %lt3A_101 : i32
    %ne3A_103 = arith.xori %lt3A_100, %lt3A_102 : i1
    %and3A_104 = arith.andi %ne3A_103, %ne3A_98 : i1
    %add3A_105 = arith.addi %rem3A_96, %select_n3A_95 : i32
    %select_n3A_106 = arith.select %and3A_104, %add3A_105, %rem3A_96 : i32
    %mul3A_107 = arith.constant 2 : i32
    %mul3A_108 = arith.muli %mul3A_107, %select_n3A_106 : i32
    %add3A_109 = arith.constant 0 : i32
    %add3A_110 = arith.addi %mul3A_108, %add3A_109 : i32
    %dma_wait3A = arith.constant 0 : i32
    %dma_wait3A_111 = arith.constant 0 : i32
    %dma_wait3A_112 = tpu.memref_slice %arg3[%select_n3A_90, %add3A_110, %dma_wait3A, %dma_wait3A_111] : memref<4x224x224x192xf32, #tpu.memory_space<hbm>> -> memref<1x1x224x192xf32, #tpu.memory_space<hbm>>
    %dma_wait3A_113 = tpu.memref_squeeze %dma_wait3A_112 : memref<1x1x224x192xf32, #tpu.memory_space<hbm>> -> memref<224x192xf32, #tpu.memory_space<hbm>>
    %dma_wait3A_114 = arith.constant 0 : i32
    %dma_wait3A_115 = arith.constant 0 : i32
    %dma_wait3A_116 = tpu.memref_slice %arg3[%select_n3A_90, %add3A_110, %dma_wait3A_114, %dma_wait3A_115] : memref<4x224x224x192xf32, #tpu.memory_space<hbm>> -> memref<1x1x224x192xf32, #tpu.memory_space<hbm>>
    %dma_wait3A_117 = tpu.memref_squeeze %dma_wait3A_116 : memref<1x1x224x192xf32, #tpu.memory_space<hbm>> -> memref<224x192xf32, #tpu.memory_space<hbm>>
    tpu.wait_dma2 semaphore(%arg10 : memref<!tpu.dma_semaphore, #tpu.memory_space<semaphore_mem>>) src(%arg6 : memref<224x192xf32, #tpu.memory_space<vmem>>) dst(%dma_wait3A_117 : memref<224x192xf32, #tpu.memory_space<hbm>>)
    %mul3A_118 = arith.constant 14 : i32
    %mul3A_119 = arith.muli %add3A, %mul3A_118 : i32
    %add3A_120 = arith.constant 13 : i32
    %add3A_121 = arith.addi %mul3A_119, %add3A_120 : i32
    %jit3A_122 = arith.constant 112 : i32
    %div3A_123 = arith.divsi %add3A_121, %jit3A_122 : i32
    %sign3A_124 = arith.constant 0 : i32
    %sign3A_125 = arith.cmpi sgt, %add3A_121, %sign3A_124 : i32
    %sign3A_126 = arith.extui %sign3A_125 : i1 to i32
    %sign3A_127 = arith.constant 0 : i32
    %sign3A_128 = arith.cmpi slt, %add3A_121, %sign3A_127 : i32
    %sign3A_129 = arith.extui %sign3A_128 : i1 to i32
    %sign3A_130 = arith.subi %sign3A_126, %sign3A_129 : i32
    %sign3A_131 = arith.constant 0 : i32
    %sign3A_132 = arith.cmpi sgt, %jit3A_122, %sign3A_131 : i32
    %sign3A_133 = arith.extui %sign3A_132 : i1 to i32
    %sign3A_134 = arith.constant 0 : i32
    %sign3A_135 = arith.cmpi slt, %jit3A_122, %sign3A_134 : i32
    %sign3A_136 = arith.extui %sign3A_135 : i1 to i32
    %sign3A_137 = arith.subi %sign3A_133, %sign3A_136 : i32
    %ne3A_138 = arith.cmpi ne, %sign3A_130, %sign3A_137 : i32
    %rem3A_139 = arith.remsi %add3A_121, %jit3A_122 : i32
    %ne3A_140 = arith.constant 0 : i32
    %ne3A_141 = arith.cmpi ne, %rem3A_139, %ne3A_140 : i32
    %and3A_142 = arith.andi %ne3A_138, %ne3A_141 : i1
    %sub3A_143 = arith.constant 1 : i32
    %sub3A_144 = arith.subi %div3A_123, %sub3A_143 : i32
    %select_n3A_145 = arith.select %and3A_142, %sub3A_144, %div3A_123 : i32
    %jit3A_146 = arith.constant 112 : i32
    %eq3A_147 = arith.constant 0 : i32
    %eq3A_148 = arith.cmpi eq, %jit3A_146, %eq3A_147 : i32
    %jit3A_149 = arith.constant 1 : i32
    %select_n3A_150 = arith.select %eq3A_148, %jit3A_149, %jit3A_146 : i32
    %rem3A_151 = arith.remsi %add3A_121, %select_n3A_150 : i32
    %ne3A_152 = arith.constant 0 : i32
    %ne3A_153 = arith.cmpi ne, %rem3A_151, %ne3A_152 : i32
    %lt3A_154 = arith.constant 0 : i32
    %lt3A_155 = arith.cmpi slt, %rem3A_151, %lt3A_154 : i32
    %lt3A_156 = arith.constant 0 : i32
    %lt3A_157 = arith.cmpi slt, %select_n3A_150, %lt3A_156 : i32
    %ne3A_158 = arith.xori %lt3A_155, %lt3A_157 : i1
    %and3A_159 = arith.andi %ne3A_158, %ne3A_153 : i1
    %add3A_160 = arith.addi %rem3A_151, %select_n3A_150 : i32
    %select_n3A_161 = arith.select %and3A_159, %add3A_160, %rem3A_151 : i32
    %mul3A_162 = arith.constant 2 : i32
    %mul3A_163 = arith.muli %mul3A_162, %select_n3A_161 : i32
    %add3A_164 = arith.constant 1 : i32
    %add3A_165 = arith.addi %mul3A_163, %add3A_164 : i32
    %dma_wait3A_166 = arith.constant 0 : i32
    %dma_wait3A_167 = arith.constant 0 : i32
    %dma_wait3A_168 = tpu.memref_slice %arg3[%select_n3A_145, %add3A_165, %dma_wait3A_166, %dma_wait3A_167] : memref<4x224x224x192xf32, #tpu.memory_space<hbm>> -> memref<1x1x56x192xf32, #tpu.memory_space<hbm>>
    %dma_wait3A_169 = tpu.memref_squeeze %dma_wait3A_168 : memref<1x1x56x192xf32, #tpu.memory_space<hbm>> -> memref<56x192xf32, #tpu.memory_space<hbm>>
    %dma_wait3A_170 = arith.constant 0 : i32
    %dma_wait3A_171 = arith.constant 0 : i32
    %dma_wait3A_172 = tpu.memref_slice %arg3[%select_n3A_145, %add3A_165, %dma_wait3A_170, %dma_wait3A_171] : memref<4x224x224x192xf32, #tpu.memory_space<hbm>> -> memref<1x1x56x192xf32, #tpu.memory_space<hbm>>
    %dma_wait3A_173 = tpu.memref_squeeze %dma_wait3A_172 : memref<1x1x56x192xf32, #tpu.memory_space<hbm>> -> memref<56x192xf32, #tpu.memory_space<hbm>>
    tpu.wait_dma2 semaphore(%arg11 : memref<!tpu.dma_semaphore, #tpu.memory_space<semaphore_mem>>) src(%arg7 : memref<56x192xf32, #tpu.memory_space<vmem>>) dst(%dma_wait3A_173 : memref<56x192xf32, #tpu.memory_space<hbm>>)
    %mul3A_174 = arith.constant 2 : i32
    %mul3A_175 = arith.muli %mul3A_174, %select_n3A_161 : i32
    %add3A_176 = arith.constant 1 : i32
    %add3A_177 = arith.addi %mul3A_175, %add3A_176 : i32
    %dma_wait3A_178 = arith.constant 56 : i32
    %dma_wait3A_179 = arith.constant 0 : i32
    %dma_wait3A_180 = tpu.memref_slice %arg3[%select_n3A_145, %add3A_177, %dma_wait3A_178, %dma_wait3A_179] : memref<4x224x224x192xf32, #tpu.memory_space<hbm>> -> memref<1x1x56x192xf32, #tpu.memory_space<hbm>>
    %dma_wait3A_181 = tpu.memref_squeeze %dma_wait3A_180 : memref<1x1x56x192xf32, #tpu.memory_space<hbm>> -> memref<56x192xf32, #tpu.memory_space<hbm>>
    %dma_wait3A_182 = arith.constant 56 : i32
    %dma_wait3A_183 = arith.constant 0 : i32
    %dma_wait3A_184 = tpu.memref_slice %arg3[%select_n3A_145, %add3A_177, %dma_wait3A_182, %dma_wait3A_183] : memref<4x224x224x192xf32, #tpu.memory_space<hbm>> -> memref<1x1x56x192xf32, #tpu.memory_space<hbm>>
    %dma_wait3A_185 = tpu.memref_squeeze %dma_wait3A_184 : memref<1x1x56x192xf32, #tpu.memory_space<hbm>> -> memref<56x192xf32, #tpu.memory_space<hbm>>
    tpu.wait_dma2 semaphore(%arg11 : memref<!tpu.dma_semaphore, #tpu.memory_space<semaphore_mem>>) src(%arg7 : memref<56x192xf32, #tpu.memory_space<vmem>>) dst(%dma_wait3A_185 : memref<56x192xf32, #tpu.memory_space<hbm>>)
    %mul3A_186 = arith.constant 2 : i32
    %mul3A_187 = arith.muli %mul3A_186, %select_n3A_161 : i32
    %add3A_188 = arith.constant 1 : i32
    %add3A_189 = arith.addi %mul3A_187, %add3A_188 : i32
    %dma_wait3A_190 = arith.constant 112 : i32
    %dma_wait3A_191 = arith.constant 0 : i32
    %dma_wait3A_192 = tpu.memref_slice %arg3[%select_n3A_145, %add3A_189, %dma_wait3A_190, %dma_wait3A_191] : memref<4x224x224x192xf32, #tpu.memory_space<hbm>> -> memref<1x1x56x192xf32, #tpu.memory_space<hbm>>
    %dma_wait3A_193 = tpu.memref_squeeze %dma_wait3A_192 : memref<1x1x56x192xf32, #tpu.memory_space<hbm>> -> memref<56x192xf32, #tpu.memory_space<hbm>>
    %dma_wait3A_194 = arith.constant 112 : i32
    %dma_wait3A_195 = arith.constant 0 : i32
    %dma_wait3A_196 = tpu.memref_slice %arg3[%select_n3A_145, %add3A_189, %dma_wait3A_194, %dma_wait3A_195] : memref<4x224x224x192xf32, #tpu.memory_space<hbm>> -> memref<1x1x56x192xf32, #tpu.memory_space<hbm>>
    %dma_wait3A_197 = tpu.memref_squeeze %dma_wait3A_196 : memref<1x1x56x192xf32, #tpu.memory_space<hbm>> -> memref<56x192xf32, #tpu.memory_space<hbm>>
    tpu.wait_dma2 semaphore(%arg11 : memref<!tpu.dma_semaphore, #tpu.memory_space<semaphore_mem>>) src(%arg7 : memref<56x192xf32, #tpu.memory_space<vmem>>) dst(%dma_wait3A_197 : memref<56x192xf32, #tpu.memory_space<hbm>>)
    %mul3A_198 = arith.constant 2 : i32
    %mul3A_199 = arith.muli %mul3A_198, %select_n3A_161 : i32
    %add3A_200 = arith.constant 1 : i32
    %add3A_201 = arith.addi %mul3A_199, %add3A_200 : i32
    %dma_wait3A_202 = arith.constant 168 : i32
    %dma_wait3A_203 = arith.constant 0 : i32
    %dma_wait3A_204 = tpu.memref_slice %arg3[%select_n3A_145, %add3A_201, %dma_wait3A_202, %dma_wait3A_203] : memref<4x224x224x192xf32, #tpu.memory_space<hbm>> -> memref<1x1x56x192xf32, #tpu.memory_space<hbm>>
    %dma_wait3A_205 = tpu.memref_squeeze %dma_wait3A_204 : memref<1x1x56x192xf32, #tpu.memory_space<hbm>> -> memref<56x192xf32, #tpu.memory_space<hbm>>
    %dma_wait3A_206 = arith.constant 168 : i32
    %dma_wait3A_207 = arith.constant 0 : i32
    %dma_wait3A_208 = tpu.memref_slice %arg3[%select_n3A_145, %add3A_201, %dma_wait3A_206, %dma_wait3A_207] : memref<4x224x224x192xf32, #tpu.memory_space<hbm>> -> memref<1x1x56x192xf32, #tpu.memory_space<hbm>>
    %dma_wait3A_209 = tpu.memref_squeeze %dma_wait3A_208 : memref<1x1x56x192xf32, #tpu.memory_space<hbm>> -> memref<56x192xf32, #tpu.memory_space<hbm>>
    tpu.wait_dma2 semaphore(%arg11 : memref<!tpu.dma_semaphore, #tpu.memory_space<semaphore_mem>>) src(%arg7 : memref<56x192xf32, #tpu.memory_space<vmem>>) dst(%dma_wait3A_209 : memref<56x192xf32, #tpu.memory_space<hbm>>)
    return
  }
}

</mosaic_0001>

<sc_bundles>
// kernel: kernel.3.cloned.1.call-start
scs
__scs_entry_jumppad:
0x0: {  	(pc) =	sbr.rel $0x88, $3  }
0x1: {  	(tag) =	ssettag $0x0;
	lr =	simm.s32 $0x1  }
0x2: {  	[smem:$0x3FA0] =	sst lr;
	_ =	strace $0xD0000000  }
0x3: {  	_ = 	snop  }
0x4: {  	_ = 	snop  }
0x5: {  	_ = 	snop  }
0x6: {  	_ = 	snop  }
0x7: {  	_ = 	snop  }
__scs_overlays_trampoline_lowered:
0x8: {  	[smem:$0x3FAF] =	sst s0  }
0x9: {  	[smem:$0x3FB0] =	sst s1  }
0xa: {  	[smem:$0x3FB1] =	sst s2  }
0xb: {  	[smem:$0x3FB2] =	sst s3  }
0xc: {  	[smem:$0x3FB3] =	sst s4  }
0xd: {  	[smem:$0x3FB4] =	sst s5  }
0xe: {  	[smem:$0x3FB5] =	sst s6  }
0xf: {  	[smem:$0x3FB6] =	sst s7  }
0x10: {  	[smem:$0x3FB7] =	sst s8  }
0x11: {  	[smem:$0x3FB8] =	sst s9;
	s0 =	simm.s32 @!p0 $0x0  }
0x12: {  	s1 =	sld [smem:$0x3F9E];
	s0 =	simm.s32 @p0 $0x1  }
0x13: {  	[smem:$0x3FB9] =	sst s0;
	s0 =	simm.s32 @!p1 $0x0  }
0x14: {  	s2 =	sld [smem:$0x3F9D];
	s0 =	simm.s32 @p1 $0x1  }
0x15: {  	[smem:$0x3FBA] =	sst s0;
	s0 =	simm.s32 @!p2 $0x0  }
0x16: {  	s3 =	sld [smem:$0x3FDB];
	s0 =	simm.s32 @p2 $0x1  }
0x17: {  	s4 =	simm.s32 $0x1BF5;
	[smem:$0x3FBC] =	sst s0  }
0x18: {  	s0 =	sld [smem:$0x3F9F];
	_ =	swait.ge [sflag:s4], $0x0  }
0x19: {  	s7 =	sld [smem:$0x3FA0]  }
0x1a: {  	s8 =	sadd.s32 $0xFFFFE003, lr  }
0x1b: {  	s9 =	sadd.s32 $0xFFFFFEF7, lr;
	s5 =	simm.s32 $0xFFFFFFFF;
	p2 =	slt.u32 s8, $0xFFFFF086  }
0x1c: {  	p1 =	slt.u32 s9, $0xF7A;
	s5 =	simm.s32 @!p2 $0x0  }
0x1d: {  	s5 =	simm.s32 @p1 $0x1;
	p0 =	seq.s32 s7, s2  }
0x1e: {  	s7 =	smul.u32 @!p0 $0xF7A, s2;
	p2 =	seq.s32 @!p0 s5, $0x0  }
0x1f: {  	s9 =	smul.u32 $0xF7A, s1;
	s8 =	simm.s32 @!p0 $0x1BF5;
	p2 =	por !p2, p0  }
0x20: {  	[sflag:s8] =	ssyncset.s32 @!p0 $0xFFFFF086;
	s6 =	sadd.s32 @!p0 s3, s7;
	s7 =	simm.s32 @!p0 $0x108  }
0x21: {  	s3 =	sadd.s32 s3, s9;
	s6 =	sadd.s32 @!p0 $0x88, s6;
	s7 =	simm.s32 @p2 $0x1082  }
0x22: {  	[simem:s7], [sflag:s8] =	dma.local @!p0 [hbm:s6], $0xF7A  }
0x23: {  	s9 =	sor.u32 $0xD0000000, s2;
	s6 =	simm.s32 $0x108;
	_ =	swait.ge @!p0 [sflag:s8], $0x0  }
0x24: {  	s3 =	sadd.s32 $0x88, s3;
	s6 =	simm.s32 @!p1 $0x1082;
	[sflag:s4] =	ssyncset.s32 $0xFFFFF086  }
0x25: {  	[simem:s6], [sflag:s4] =	dma.local [hbm:s3], $0xF7A  }
0x26: {  	[smem:$0x3FA0] =	sst s1;
	(tag) =	ssettag s2;
	_ =	strace s9  }
0x27: {  	s1 =	sld [smem:$0x3FB0]  }
0x28: {  	s2 =	sld [smem:$0x3FB1]  }
0x29: {  	s4 =	sld [smem:$0x3FB3]  }
0x2a: {  	p0 =	seq.s32 s5, $0x0;
	s5 =	sld [smem:$0x3FB4]  }
0x2b: {  	s6 =	sld [smem:$0x3FB5]  }
0x2c: {  	s7 =	sld [smem:$0x3FB6]  }
0x2d: {  	s3 =	simm.s32 $0x108;
	s8 =	sld [smem:$0x3FB7]  }
0x2e: {  	s3 =	simm.s32 @!p0 $0x1082;
	s9 =	sld [smem:$0x3FB8]  }
0x2f: {  	lr =	sadd.s32 s0, s3;
	s0 =	sld [smem:$0x3FAF]  }
0x30: {  	s3 =	sld [smem:$0x3FB2]  }
0x31: {  	[smem:$0x3FBB] =	sst s10  }
0x32: {  	s10 =	sld [smem:$0x3FB9];
	_ =	sdelay $0x3  }
0x33: {  	p0 =	seq.s32 s10, $0x1;
	s10 =	sld [smem:$0x3FBB];
	_ =	sdelay $0x3  }
0x34: {  	[smem:$0x3FBB] =	sst s10  }
0x35: {  	s10 =	sld [smem:$0x3FBA];
	_ =	sdelay $0x3  }
0x36: {  	p1 =	seq.s32 s10, $0x1;
	s10 =	sld [smem:$0x3FBB];
	_ =	sdelay $0x3  }
0x37: {  	[smem:$0x3FBB] =	sst s10  }
0x38: {  	s10 =	sld [smem:$0x3FBC]  }
0x39: {  	_ = 	snop;
	(pc) =	sbr.ind lr, $3  }
0x3a: {  	_ = 	snop  }
0x3b: {  	_ = 	snop  }
0x3c: {  	p2 =	seq.s32 s10, $0x1;
	s10 =	sld [smem:$0x3FBB]  }
0x3d: {  	_ =	shalt  }
0x3e: {  	_ =	shalt  }
0x3f: {  	_ =	shalt  }
0x40: {  	_ =	shalt  }
0x41: {  	_ =	shalt  }
0x42: {  	_ =	shalt  }
0x43: {  	_ =	shalt  }
0x44: {  	_ =	shalt  }
0x45: {  	_ =	shalt  }
0x46: {  	_ =	shalt  }
0x47: {  	_ =	shalt  }
0x48: {  	_ =	shalt  }
0x49: {  	_ =	shalt  }
0x4a: {  	_ =	shalt  }
0x4b: {  	_ =	shalt  }
0x4c: {  	_ =	shalt  }
0x4d: {  	_ =	shalt  }
0x4e: {  	_ =	shalt  }
0x4f: {  	_ =	shalt  }
0x50: {  	_ =	shalt  }
0x51: {  	_ =	shalt  }
0x52: {  	_ =	shalt  }
0x53: {  	_ =	shalt  }
0x54: {  	_ =	shalt  }
0x55: {  	_ =	shalt  }
0x56: {  	_ =	shalt  }
0x57: {  	_ =	shalt  }
0x58: {  	_ =	shalt  }
0x59: {  	_ =	shalt  }
0x5a: {  	_ =	shalt  }
0x5b: {  	_ =	shalt  }
0x5c: {  	_ =	shalt  }
0x5d: {  	_ =	shalt  }
0x5e: {  	_ =	shalt  }
0x5f: {  	_ =	shalt  }
0x60: {  	_ =	shalt  }
0x61: {  	_ =	shalt  }
0x62: {  	_ =	shalt  }
0x63: {  	_ =	shalt  }
0x64: {  	_ =	shalt  }
0x65: {  	_ =	shalt  }
0x66: {  	_ =	shalt  }
0x67: {  	_ =	shalt  }
0x68: {  	_ =	shalt  }
0x69: {  	_ =	shalt  }
0x6a: {  	_ =	shalt  }
0x6b: {  	_ =	shalt  }
0x6c: {  	_ =	shalt  }
0x6d: {  	_ =	shalt  }
0x6e: {  	_ =	shalt  }
0x6f: {  	_ =	shalt  }
0x70: {  	_ =	shalt  }
0x71: {  	_ =	shalt  }
0x72: {  	_ =	shalt  }
0x73: {  	_ =	shalt  }
0x74: {  	_ =	shalt  }
0x75: {  	_ =	shalt  }
0x76: {  	_ =	shalt  }
0x77: {  	_ =	shalt  }
0x78: {  	_ =	shalt  }
0x79: {  	_ =	shalt  }
0x7a: {  	_ =	shalt  }
0x7b: {  	_ =	shalt  }
0x7c: {  	_ =	shalt  }
0x7d: {  	_ =	shalt  }
0x7e: {  	_ =	shalt  }
0x7f: {  	_ =	shalt  }
0x80: {  	_ =	shalt  }
0x81: {  	_ =	shalt  }
0x82: {  	_ =	shalt  }
0x83: {  	_ =	shalt  }
0x84: {  	_ =	shalt  }
0x85: {  	_ =	shalt  }
0x86: {  	_ =	shalt  }
0x87: {  	_ =	shalt  }
.Lfunc_end0:
.L_simem_size_0:
called_computation_lowered:
.L_overlay_start_0:
0x88: {  	s2 =	sld [smem:$0x3FD9]  }
0x89: {  	s3 =	sld [smem:$0x3FFE];
	_ =	sdelay $0x1  }
0x8a: {  	s1 =	srdreg.scid  }
0x8b: {  	s0 =	sand.u32 $0x1, s1  }
0x8c: {  	s17 =	sshll.u32 s0, $0xA;
	s2 =	sadd.s32 s3, s2  }
0x8d: {  	s2 =	sadd.s32 s2, s17  }
0x8e: {  	[smem:$0x3FC7] =	sst s2  }
0x8f: {  	_ = 	snop  }
0x90: {  	s2 =	sld [smem:$0x3FD0];
	(tm) =	ssettm $0x1  }
0x91: {  	s18 =	sld [smem:$0x3FFB];
	_ =	sdelay $0x3  }
0x92: {  	_ =	strace s18  }
0x93: {  	s3 =	sld [smem:$0x3FFC];
	_ =	sdelay $0x3  }
0x94: {  	_ =	strace s3  }
0x95: {  	s3 =	sld [smem:$0x3FFD];
	_ =	sdelay $0x3  }
0x96: {  	_ =	strace s3  }
0x97: {  	_ =	strace $0x8FFFFFFF  }
0x98: {  	s19 =	sld [smem:$0x3FDB];
	_ =	sdelay $0x1  }
0x99: {  	s4 =	simm.s32 $_scs_section_size  }
0x9a: {  	s5 =	simm.s32 $_size__tile_overlayer_lowered;
	s6 =	simm.s32 $_tile_overlayer_lowered  }
0x9b: {  	s22 =	simm.s32 $0x1BFF;
	s21 =	sshll.u32 s6, $0x1;
	s3 =	sadd.s32 s4, s19  }
0x9c: {  	s7 =	simm.s32 $0x0;
	s20 =	sshll.u32 s5, $0x1;
	s5 =	sadd.s32 s21, s3  }
0x9d: {  	[timem:s7], [sflag:s22] =	dma.local [hbm:s5], s20  }
0x9e: {  	_ =	swait.ge [sflag:s22], s20  }
0x9f: {  	s4 =	ssub.s32 $0x0, s20;
	[sflag:s22] =	ssyncset.done $0x0  }
0xa0: {  	[sflag:s22] =	ssyncadd.s32 s4;
	_ =	sdelay $0x1  }
0xa1: {  	s23 =	simm.s32 $0x1B8B  }
0xa2: {  	_ =	swait.ge [sflag:s23], $0x1  }
0xa3: {  	[sflag:s23] =	ssyncset.done $0x0  }
0xa4: {  	s25 =	simm.s32 $0x1B8E;
	s24 =	sld [smem:$0x3FFE];
	[sflag:s23] =	ssyncadd.s32 $0xFFFFFFFF  }
0xa5: {  	s26 =	simm.s32 $execute0_lowered;
	[smem:$0x3FD2] =	sst s25  }
0xa6: {  	s5 =	sshll.u32 s26, $0x1;
	_ =	strace $0x80000046;
	[dreg:$0x1] =	wrdreg $0xFFFFFFFF  }
0xa7: {  	s28 =	simm.s32 $_size_execute0_lowered;
	s3 =	sadd.s32 s3, s5;
	[dreg:$0x0] =	wrdreg $0x0  }
0xa8: {  	s5 =	sshll.u32 s28, $0x1;
	[dreg:$0x2] =	wrdreg s3  }
0xa9: {  	[dreg:$0x3] =	wrdreg s5  }
0xaa: {  	[dreg:$0x4] =	wrdreg $0xC0  }
0xab: {  	_ =	task [dreg:s7], $0x5FFFF  }
0xac: {  	[dreg:$0x1] =	wrdreg $0xFFFFFFFF  }
0xad: {  	[dreg:$0x0] =	wrdreg $0x60  }
0xae: {  	[dreg:$0x2] =	wrdreg s2  }
0xaf: {  	[dreg:$0x3] =	wrdreg s24  }
0xb0: {  	[dreg:$0x4] =	wrdreg $0x9  }
0xb1: {  	_ =	task.clear_ibuf [dreg:s7], $0x5FFFF;
	_ =	strace $0x90000046  }
0xb2: {  	s29 =	simm.s32 $0x9;
	_ =	strace $0x80000048  }
0xb3: {  	_ =	swait.ge [sflag:s29], $0x1  }
0xb4: {  	[sflag:s29] =	ssyncadd.s32 $0xFFFFFFFF  }
0xb5: {  	_ =	strace $0x90000048  }
0xb6: {  	_ =	sfence  }
0xb7: {  	s30 =	sld [smem:$0x0];
	_ =	sdelay $0x2  }
0xb8: {  	s31 =	sshll.u32 s1, $0xD;
	s1 =	sshrl.u32 s1, $0x2  }
0xb9: {  	s3 =	sand.u32 $0x4000, s31;
	s1 =	sadd.s32 s1, s30  }
0xba: {  	s0 =	sor.u32 s3, s0;
	s1 =	sshll.u32 s1, $0x11  }
0xbb: {  	s0 =	sor.u32 s1, s0  }
0xbc: {  	s0 =	sadd.s32 $0x8F2B, s0  }
0xbd: {  	[sflag:s0] =	ssyncadd.remote.s32 $0x1  }
0xbe: {  	_ =	sfence.sel $0xFFFF  }
0xbf: {  	[dreg:$0x0] =	wrdreg $0xFFFFFFFF;
	(pc) =	sbr.abs _section_cstart, $3  }
0xc0: {  	[dreg:$0x1] =	wrdreg $0xFFFFFFFF  }
0xc1: {  	_ =	task.clear_ibuf [dreg:s7], $0x2FFFF;
	_ =	strace $0x9FFFFFFF  }
0xc2: {  	(tm) =	ssettm $0x7FFFFFFF  }
0xc3: {  	_ =	shalt  }
tec
execute0_lowered:
.L_overlay_start_1:
0x0: {  	(tag) =	ssettag $0x1  }
0x1: {  	s1 =	srdreg.scid;
	s0 =	stileid.u32  }
0x2: {  	s5 =	sand.u32 $0x1, s1;
	s29 =	sshll.u32 s0, $0x1  }
0x3: {  	s1 =	sor.u32 s5, s29  }
0x4: {  	s2 =	smul.u32 $0x200C, s1  }
0x5: {  	s3 =	rddreg [dreg:$0x0]  }
0x6: {  	s6 =	rddreg [dreg:$0x1];
	s1 =	smul.u32 $0xE, s1;
	s2 =	sshrl.u32 s2, $0x10  }
0x7: {  	s10 =	simm.s32 $0x7000;
	s11 =	simm.s32 $0xE000;
	s2 =	smul.u32 $0x70, s2  }
0x8: {  	s12 =	simm.s32 $0x1C000;
	s13 =	simm.s32 $0x3;
	s14 =	simm.s32 $0x2  }
0x9: {  	s15 =	simm.s32 $0x4;
	s4 =	sshrl.u32 s0, $0x2;
	s2 =	ssub.s32 s1, s2  }
0xa: {  	s16 =	simm.s32 $0x0;
	s7 =	smul.u32 $0x310000, s4;
	s8 =	sand.u32 $0xFFFE, s2  }
0xb: {  	s4 =	simm.s32 $0x0;
	s9 =	ssub.s32 $0x2, s5;
	s8 =	smul.u32 $0x7000, s8  }
0xc: {  	s5 =	sadd.s32 $0x400, s6;
	[smem:$0x7FF] =	sst s4;
	s30 =	sshrl.u32 s9, $0x1  }
0xd: {  	s31 =	ssub.s32 s9, s30;
	s9 =	simm.s32 $0x1;
	s7 =	sadd.s32 s7, s8  }
0xe: {  	s2 =	rddreg [dreg:$0x2];
	_ =	strace $0x80000047;
	s7 =	sshrl.u32 s7, $0x3  }
0xf: {  	v0 =	vimm.f32 $0.0e+00;
	s8 =	smax.u32 s31, $0x1;
	s6 =	sadd.s32 s3, s7;
	s7 =	sadd.s32 $0x2, s1  }
.LBB2_1:
0x10: {  	s17 =	sand.u32 $0xF800, s4;
	s18 =	sand.u32 $0x380, s4  }
0x11: {  	s17 =	sor.u32 s18, s17  }
0x12: {  	[tilespmem:s17+$0xE430] =	vst v0  }
0x13: {  	[tilespmem:s17+$0xE000] =	vst v0  }
0x14: {  	[tilespmem:s17+$0xE010] =	vst v0  }
0x15: {  	[tilespmem:s17+$0xE020] =	vst v0  }
0x16: {  	[tilespmem:s17+$0xE030] =	vst v0  }
0x17: {  	[tilespmem:s17+$0xE040] =	vst v0  }
0x18: {  	[tilespmem:s17+$0xE050] =	vst v0  }
0x19: {  	[tilespmem:s17+$0xE060] =	vst v0  }
0x1a: {  	[tilespmem:s17+$0xE070] =	vst v0  }
0x1b: {  	s19 =	simm.s32 $0x100;
	s18 =	simm.s32 $0x80;
	[tilespmem:s17+$0xE400] =	vst v0  }
0x1c: {  	s20 =	sand.u32 $0xF800, s19;
	s19 =	simm.s32 $0x200;
	s21 =	sand.u32 $0x380, s18;
	[tilespmem:s17+$0xE410] =	vst v0  }
.LBB2_2:
0x1d: {  	p0 =	sne.s32 s19, $0xDF00;
	[tilespmem:s17+$0xE420] =	vst v0;
	s17 =	sor.u32 s21, s20  }
0x1e: {  	[tilespmem:s17+$0xE430] =	vst v0  }
0x1f: {  	[tilespmem:s17+$0xE000] =	vst v0  }
0x20: {  	[tilespmem:s17+$0xE010] =	vst v0  }
0x21: {  	[tilespmem:s17+$0xE020] =	vst v0  }
0x22: {  	[tilespmem:s17+$0xE030] =	vst v0  }
0x23: {  	[tilespmem:s17+$0xE040] =	vst v0  }
.Ltmp0:
0x24: {  	[tilespmem:s17+$0xE050] =	vst v0;
	(pc) =	sbr.rel @p0 .LBB2_2-.Ltmp0, $4  }
0x25: {  	[tilespmem:s17+$0xE060] =	vst v0  }
0x26: {  	[tilespmem:s17+$0xE070] =	vst v0  }
0x27: {  	s18 =	sadd.s32 $0x80, s18;
	[tilespmem:s17+$0xE400] =	vst v0  }
0x28: {  	s20 =	sand.u32 $0xF800, s19;
	s19 =	sadd.s32 $0x100, s19;
	s21 =	sand.u32 $0x380, s18;
	[tilespmem:s17+$0xE410] =	vst v0  }
0x29: {  	s18 =	sor.u32 s21, s20;
	[tilespmem:s17+$0xE420] =	vst v0  }
0x2a: {  	[tilespmem:s18+$0xE430] =	vst v0  }
0x2b: {  	[tilespmem:s18+$0xE000] =	vst v0  }
0x2c: {  	[tilespmem:s18+$0xE010] =	vst v0  }
0x2d: {  	[tilespmem:s18+$0xE020] =	vst v0  }
0x2e: {  	[tilespmem:s18+$0xE030] =	vst v0  }
0x2f: {  	[tilespmem:s18+$0xE040] =	vst v0  }
0x30: {  	[tilespmem:s18+$0xE050] =	vst v0  }
0x31: {  	[tilespmem:s18+$0xE060] =	vst v0  }
0x32: {  	[tilespmem:s18+$0xE070] =	vst v0  }
0x33: {  	s30 =	simm.s32 $0x0;
	[tilespmem:s18+$0xE400] =	vst v0  }
0x34: {  	[tilespmem:s18+$0xE410] =	vst v0;
	s19 =	sand.u32 $0x3800, s30;
	s17 =	sand.u32 $0x380, s30  }
0x35: {  	[tilespmem:s18+$0xE420] =	vst v0;
	s17 =	sor.u32 s17, s19  }
0x36: {  	[tilespmem:s17+$0x1C430] =	vst v0  }
0x37: {  	[tilespmem:s17+$0x1C000] =	vst v0  }
0x38: {  	[tilespmem:s17+$0x1C010] =	vst v0  }
0x39: {  	[tilespmem:s17+$0x1C020] =	vst v0  }
0x3a: {  	[tilespmem:s17+$0x1C030] =	vst v0  }
0x3b: {  	[tilespmem:s17+$0x1C040] =	vst v0  }
0x3c: {  	[tilespmem:s17+$0x1C050] =	vst v0  }
0x3d: {  	[tilespmem:s17+$0x1C060] =	vst v0  }
0x3e: {  	[tilespmem:s17+$0x1C070] =	vst v0  }
0x3f: {  	s31 =	simm.s32 $0x100;
	s18 =	simm.s32 $0x80;
	[tilespmem:s17+$0x1C400] =	vst v0  }
0x40: {  	s20 =	sand.u32 $0x3800, s31;
	s21 =	sand.u32 $0x380, s18;
	s19 =	simm.s32 $0x200;
	[tilespmem:s17+$0x1C410] =	vst v0  }
.LBB2_4:
0x41: {  	p0 =	sne.s32 s19, $0x3700;
	[tilespmem:s17+$0x1C420] =	vst v0;
	s17 =	sor.u32 s21, s20  }
0x42: {  	[tilespmem:s17+$0x1C430] =	vst v0  }
0x43: {  	[tilespmem:s17+$0x1C000] =	vst v0  }
0x44: {  	[tilespmem:s17+$0x1C010] =	vst v0  }
0x45: {  	[tilespmem:s17+$0x1C020] =	vst v0  }
0x46: {  	[tilespmem:s17+$0x1C030] =	vst v0  }
0x47: {  	[tilespmem:s17+$0x1C040] =	vst v0  }
.Ltmp1:
0x48: {  	[tilespmem:s17+$0x1C050] =	vst v0;
	(pc) =	sbr.rel @p0 .LBB2_4-.Ltmp1, $4  }
0x49: {  	[tilespmem:s17+$0x1C060] =	vst v0  }
0x4a: {  	[tilespmem:s17+$0x1C070] =	vst v0  }
0x4b: {  	s18 =	sadd.s32 $0x80, s18;
	[tilespmem:s17+$0x1C400] =	vst v0  }
0x4c: {  	s20 =	sand.u32 $0x3800, s19;
	s19 =	sadd.s32 $0x100, s19;
	s21 =	sand.u32 $0x380, s18;
	[tilespmem:s17+$0x1C410] =	vst v0  }
0x4d: {  	s18 =	sor.u32 s21, s20;
	[tilespmem:s17+$0x1C420] =	vst v0  }
0x4e: {  	[tilespmem:s18+$0x1C430] =	vst v0  }
0x4f: {  	[tilespmem:s18+$0x1C000] =	vst v0  }
0x50: {  	[tilespmem:s18+$0x1C010] =	vst v0  }
0x51: {  	[tilespmem:s18+$0x1C020] =	vst v0  }
0x52: {  	[tilespmem:s18+$0x1C030] =	vst v0  }
0x53: {  	[tilespmem:s18+$0x1C040] =	vst v0  }
0x54: {  	[tilespmem:s18+$0x1C050] =	vst v0  }
0x55: {  	[tilespmem:s18+$0x1C060] =	vst v0  }
0x56: {  	[tilespmem:s18+$0x1C070] =	vst v0  }
0x57: {  	[tilespmem:s18+$0x1C400] =	vst v0  }
0x58: {  	[tilespmem:s18+$0x1C410] =	vst v0  }
0x59: {  	s17 =	simm.s32 $0x0;
	[tilespmem:s18+$0x1C420] =	vst v0;
	s18 =	simm.s32 $0x0  }
0x5a: {  	[tilespmem:s17], [sflag:$0x1] =	stream.linear.gather [hbm4b:s6+s17], $0x7000, $0x38;
	[tilespmem:$0x1F800] =	vst v63  }
.LBB2_6:
0x5b: {  	s19 =	sshllo.u32 s18, $0x1  }
0x5c: {  	s20 =	sadd.s32 s1, s19  }
0x5d: {  	s19 =	smulhi.u32 $0x92492493, s20;
	_ =	sdelay $0x1  }
0x5e: {  	s19 =	sshrl.u32 s19, $0x6  }
0x5f: {  	p0 =	seq.s32 s18, $0x0;
	s21 =	smul.u32 $0x70, s19  }
0x60: {  	s22 =	simm.s32 @!p0 $0x3  }
0x61: {  	_ =	swait.ge @!p0 [sflag:s22], $0xE000;
	s24 =	smul.u32 $0x310000, s19;
	s20 =	ssub.s32 s20, s21  }
0x62: {  	[sflag:s22] =	ssyncset.done @!p0 $0x0;
	s23 =	smul.u32 $0x7000, s20  }
0x63: {  	[sflag:s22] =	ssyncadd.s32 @!p0 $0xFFFF2000  }
0x64: {  	s25 =	sand.u32 $0x7800, s17;
	_ =	swait.ge [sflag:s9], $0x7000;
	s21 =	sadd.s32 s23, s24  }
0x65: {  	s26 =	sand.u32 $0x380, s17;
	[sflag:s9] =	ssyncset.done $0x0;
	s21 =	sshrl.u32 s21, $0x3  }
0x66: {  	s25 =	sor.u32 s26, s25;
	[sflag:s9] =	ssyncadd.s32 $0xFFFF9000;
	s21 =	sadd.s32 s3, s21  }
0x67: {  	[tilespmem:s10], [sflag:$0x2] =	stream.linear.gather [hbm4b:s21+s17], $0x7000, $0x38;
	[tilespmem:$0x1F800] =	vst v63  }
0x68: {  	v1 =	vld [tilespmem:s25+$0x0];
	_ =	sdelay $0x2  }
0x69: {  	s30 =	sand.u32 $0x300, s17;
	s31 =	sand.u32 $0xF800, s17  }
0x6a: {  	s22 =	sor.u32 s30, s31  }
0x6b: {  	[tilespmem:s22+$0xE000] =	vst v1  }
0x6c: {  	v1 =	vld [tilespmem:s25+$0x10];
	_ =	sdelay $0x4  }
0x6d: {  	[tilespmem:s22+$0xE010] =	vst v1  }
0x6e: {  	v1 =	vld [tilespmem:s25+$0x20];
	_ =	sdelay $0x4  }
0x6f: {  	[tilespmem:s22+$0xE020] =	vst v1  }
0x70: {  	v1 =	vld [tilespmem:s25+$0x30];
	_ =	sdelay $0x4  }
0x71: {  	[tilespmem:s22+$0xE030] =	vst v1  }
0x72: {  	v1 =	vld [tilespmem:s25+$0x40];
	_ =	sdelay $0x4  }
0x73: {  	[tilespmem:s22+$0xE040] =	vst v1  }
0x74: {  	v1 =	vld [tilespmem:s25+$0x50];
	_ =	sdelay $0x4  }
0x75: {  	[tilespmem:s22+$0xE050] =	vst v1  }
0x76: {  	v1 =	vld [tilespmem:s25+$0x60];
	_ =	sdelay $0x4  }
0x77: {  	[tilespmem:s22+$0xE060] =	vst v1  }
0x78: {  	v1 =	vld [tilespmem:s25+$0x70];
	_ =	sdelay $0x4  }
0x79: {  	[tilespmem:s22+$0xE070] =	vst v1  }
0x7a: {  	v1 =	vld [tilespmem:s25+$0x400];
	_ =	sdelay $0x4  }
0x7b: {  	[tilespmem:s22+$0xE400] =	vst v1  }
0x7c: {  	v1 =	vld [tilespmem:s25+$0x410];
	_ =	sdelay $0x4  }
0x7d: {  	[tilespmem:s22+$0xE410] =	vst v1  }
0x7e: {  	v1 =	vld [tilespmem:s25+$0x420];
	_ =	sdelay $0x4  }
0x7f: {  	[tilespmem:s22+$0xE420] =	vst v1  }
0x80: {  	v1 =	vld [tilespmem:s25+$0x430];
	_ =	sdelay $0x1  }
0x81: {  	s23 =	simm.s32 $0x100  }
0x82: {  	s26 =	simm.s32 $0x200;
	s24 =	simm.s32 $0x80;
	s28 =	sand.u32 $0x7800, s23  }
0x83: {  	s29 =	sand.u32 $0x380, s24;
	s21 =	sshll.u32 s18, $0x1;
	s25 =	simm.s32 $0x0  }
.LBB2_7:
0x84: {  	p1 =	sne.s32 s26, $0x6F00;
	s28 =	sor.u32 s29, s28;
	[tilespmem:s22+$0xE430] =	vst v1  }
0x85: {  	v1 =	vld [tilespmem:s28+$0x0];
	_ =	sdelay $0x1  }
0x86: {  	s25 =	sadd.s32 $0x200, s25  }
0x87: {  	s22 =	sand.u32 $0x300, s23;
	s23 =	smov.u32 s26;
	s29 =	sand.u32 $0xF800, s25  }
0x88: {  	s22 =	sor.u32 s22, s29  }
0x89: {  	[tilespmem:s22+$0xE000] =	vst v1  }
0x8a: {  	v1 =	vld [tilespmem:s28+$0x10];
	_ =	sdelay $0x4  }
0x8b: {  	[tilespmem:s22+$0xE010] =	vst v1  }
0x8c: {  	v1 =	vld [tilespmem:s28+$0x20];
	_ =	sdelay $0x4  }
0x8d: {  	[tilespmem:s22+$0xE020] =	vst v1  }
0x8e: {  	v1 =	vld [tilespmem:s28+$0x30];
	_ =	sdelay $0x4  }
0x8f: {  	[tilespmem:s22+$0xE030] =	vst v1  }
0x90: {  	v1 =	vld [tilespmem:s28+$0x40];
	_ =	sdelay $0x4  }
0x91: {  	[tilespmem:s22+$0xE040] =	vst v1  }
0x92: {  	v1 =	vld [tilespmem:s28+$0x50];
	_ =	sdelay $0x4  }
0x93: {  	[tilespmem:s22+$0xE050] =	vst v1  }
0x94: {  	v1 =	vld [tilespmem:s28+$0x60];
	_ =	sdelay $0x4  }
0x95: {  	[tilespmem:s22+$0xE060] =	vst v1  }
0x96: {  	v1 =	vld [tilespmem:s28+$0x70];
	_ =	sdelay $0x4  }
0x97: {  	[tilespmem:s22+$0xE070] =	vst v1  }
0x98: {  	v1 =	vld [tilespmem:s28+$0x400];
	_ =	sdelay $0x4  }
0x99: {  	[tilespmem:s22+$0xE400] =	vst v1  }
0x9a: {  	v1 =	vld [tilespmem:s28+$0x410];
	_ =	sdelay $0x4  }
0x9b: {  	[tilespmem:s22+$0xE410] =	vst v1  }
0x9c: {  	v1 =	vld [tilespmem:s28+$0x420];
	_ =	sdelay $0x4  }
0x9d: {  	[tilespmem:s22+$0xE420] =	vst v1  }
.Ltmp2:
0x9e: {  	v1 =	vld [tilespmem:s28+$0x430];
	(pc) =	sbr.rel @p1 .LBB2_7-.Ltmp2, $3  }
0x9f: {  	_ =	sdelay $0x1  }
0xa0: {  	s24 =	sadd.s32 $0x80, s24  }
0xa1: {  	s26 =	sadd.s32 $0x100, s26;
	s29 =	sand.u32 $0x380, s24;
	s28 =	sand.u32 $0x7800, s23  }
0xa2: {  	s24 =	sor.u32 s29, s28;
	[tilespmem:s22+$0xE430] =	vst v1  }
0xa3: {  	v1 =	vld [tilespmem:s24+$0x0];
	_ =	sdelay $0x1  }
0xa4: {  	s29 =	sadd.s32 $0x200, s25  }
0xa5: {  	s23 =	sand.u32 $0x300, s23;
	s22 =	sand.u32 $0xF800, s29  }
0xa6: {  	s22 =	sor.u32 s23, s22  }
0xa7: {  	[tilespmem:s22+$0xE000] =	vst v1  }
0xa8: {  	v1 =	vld [tilespmem:s24+$0x10];
	_ =	sdelay $0x4  }
0xa9: {  	[tilespmem:s22+$0xE010] =	vst v1  }
0xaa: {  	v1 =	vld [tilespmem:s24+$0x20];
	_ =	sdelay $0x4  }
0xab: {  	[tilespmem:s22+$0xE020] =	vst v1  }
0xac: {  	v1 =	vld [tilespmem:s24+$0x30];
	_ =	sdelay $0x4  }
0xad: {  	[tilespmem:s22+$0xE030] =	vst v1  }
0xae: {  	v1 =	vld [tilespmem:s24+$0x40];
	_ =	sdelay $0x4  }
0xaf: {  	[tilespmem:s22+$0xE040] =	vst v1  }
0xb0: {  	v1 =	vld [tilespmem:s24+$0x50];
	_ =	sdelay $0x4  }
0xb1: {  	[tilespmem:s22+$0xE050] =	vst v1  }
0xb2: {  	v1 =	vld [tilespmem:s24+$0x60];
	_ =	sdelay $0x4  }
0xb3: {  	[tilespmem:s22+$0xE060] =	vst v1  }
0xb4: {  	v1 =	vld [tilespmem:s24+$0x70];
	_ =	sdelay $0x4  }
0xb5: {  	[tilespmem:s22+$0xE070] =	vst v1  }
0xb6: {  	v1 =	vld [tilespmem:s24+$0x400];
	_ =	sdelay $0x4  }
0xb7: {  	[tilespmem:s22+$0xE400] =	vst v1  }
0xb8: {  	v1 =	vld [tilespmem:s24+$0x410];
	_ =	sdelay $0x4  }
0xb9: {  	[tilespmem:s22+$0xE410] =	vst v1  }
0xba: {  	s30 =	sadd.s32 s1, s21;
	v1 =	vld [tilespmem:s24+$0x420]  }
0xbb: {  	s31 =	smulhi.u32 $0x92492493, s30;
	_ =	sdelay $0x1  }
0xbc: {  	s25 =	sshrl.u32 s31, $0x6  }
0xbd: {  	s26 =	smul.u32 $0x70, s25  }
0xbe: {  	[tilespmem:s22+$0xE420] =	vst v1  }
0xbf: {  	s25 =	smul.u32 $0xC40000, s25;
	s23 =	ssub.s32 s30, s26;
	v1 =	vld [tilespmem:s24+$0x430]  }
0xc0: {  	s23 =	smul.u32 $0x1C000, s23;
	_ =	sdelay $0x1  }
0xc1: {  	s23 =	sadd.s32 s23, s25  }
0xc2: {  	s23 =	sshrl.u32 s23, $0x3  }
0xc3: {  	s26 =	sadd.s32 s5, s23;
	s23 =	simm.s32 @!p0 $0x4;
	[tilespmem:s22+$0xE430] =	vst v1  }
0xc4: {  	[hbm4b:s26+s4] =	stream.linear.scatter [tilespmem:s11], [sflag:$0x3], $0xE000, $0x38;
	[tilespmem:$0x1F800] =	vst v63  }
0xc5: {  	_ =	swait.ge @!p0 [sflag:s23], $0x3800  }
0xc6: {  	[sflag:s23] =	ssyncset.done @!p0 $0x0  }
0xc7: {  	[sflag:s23] =	ssyncadd.s32 @!p0 $0xFFFFC800  }
0xc8: {  	_ =	swait.ge @!p0 [sflag:s23], $0x3800  }
0xc9: {  	[sflag:s23] =	ssyncset.done @!p0 $0x0  }
0xca: {  	[sflag:s23] =	ssyncadd.s32 @!p0 $0xFFFFC800  }
0xcb: {  	_ =	swait.ge @!p0 [sflag:s23], $0x3800  }
0xcc: {  	[sflag:s23] =	ssyncset.done @!p0 $0x0  }
0xcd: {  	[sflag:s23] =	ssyncadd.s32 @!p0 $0xFFFFC800  }
0xce: {  	_ =	swait.ge @!p0 [sflag:s23], $0x3800  }
0xcf: {  	[sflag:s23] =	ssyncset.done @!p0 $0x0  }
0xd0: {  	s29 =	sadd.s32 $0x1C00, s26;
	[sflag:s23] =	ssyncadd.s32 @!p0 $0xFFFFC800;
	p0 =	seq.s32 s18, $0x6  }
0xd1: {  	[hbm4b:s29+s4] =	stream.linear.scatter [tilespmem:s12], [sflag:$0x4], $0x3800, $0x38;
	[tilespmem:$0x1F800] =	vst v63  }
0xd2: {  	s21 =	sadd.s32 @!p0 s21, s7  }
0xd3: {  	s30 =	sadd.s32 $0x2300, s26;
	s24 =	smulhi.u32 @!p0 $0x92492493, s21  }
0xd4: {  	[hbm4b:s30+s4] =	stream.linear.scatter [tilespmem:s12], [sflag:$0x4], $0x3800, $0x38;
	[tilespmem:$0x1F800] =	vst v63  }
0xd5: {  	s31 =	sadd.s32 $0x2A00, s26;
	s23 =	sshrl.u32 @!p0 s24, $0x6  }
0xd6: {  	[hbm4b:s31+s4] =	stream.linear.scatter [tilespmem:s12], [sflag:$0x4], $0x3800, $0x38;
	[tilespmem:$0x1F800] =	vst v63  }
0xd7: {  	s22 =	sadd.s32 $0x3100, s26;
	s24 =	smul.u32 @!p0 $0x70, s23  }
0xd8: {  	[hbm4b:s22+s4] =	stream.linear.scatter [tilespmem:s12], [sflag:$0x4], $0x3800, $0x38;
	[tilespmem:$0x1F800] =	vst v63  }
0xd9: {  	s22 =	smul.u32 @!p0 $0x310000, s23;
	s21 =	ssub.s32 @!p0 s21, s24;
	_ =	swait.ge [sflag:s13], $0xE000  }
0xda: {  	s21 =	smul.u32 @!p0 $0x7000, s21;
	[sflag:s13] =	ssyncset.done $0x0  }
0xdb: {  	[sflag:s13] =	ssyncadd.s32 $0xFFFF2000  }
0xdc: {  	s21 =	sadd.s32 @!p0 s21, s22;
	_ =	swait.ge [sflag:s14], $0x7000  }
0xdd: {  	s21 =	sshrl.u32 @!p0 s21, $0x3;
	[sflag:s14] =	ssyncset.done $0x0  }
0xde: {  	s22 =	simm.s32 @!p0 $0x0;
	s21 =	sadd.s32 @!p0 s3, s21;
	[sflag:s14] =	ssyncadd.s32 $0xFFFF9000  }
0xdf: {  	[tilespmem:s22], [sflag:$0x1] =	stream.linear.gather @!p0 [hbm4b:s21+s22], $0x7000, $0x38;
	[tilespmem:$0x1F800] =	vst v63  }
0xe0: {  	s21 =	simm.s32 $0x0  }
0xe1: {  	s25 =	sand.u32 $0x7800, s21;
	s26 =	sand.u32 $0x380, s21  }
0xe2: {  	s29 =	sor.u32 s26, s25  }
0xe3: {  	v1 =	vld [tilespmem:s29+$0x7000];
	_ =	sdelay $0x2  }
0xe4: {  	s30 =	sand.u32 $0x300, s21;
	s31 =	sand.u32 $0xF800, s21  }
0xe5: {  	s22 =	sor.u32 s30, s31  }
0xe6: {  	[tilespmem:s22+$0xE000] =	vst v1  }
0xe7: {  	v1 =	vld [tilespmem:s29+$0x7010];
	_ =	sdelay $0x4  }
0xe8: {  	[tilespmem:s22+$0xE010] =	vst v1  }
0xe9: {  	v1 =	vld [tilespmem:s29+$0x7020];
	_ =	sdelay $0x4  }
0xea: {  	[tilespmem:s22+$0xE020] =	vst v1  }
0xeb: {  	v1 =	vld [tilespmem:s29+$0x7030];
	_ =	sdelay $0x4  }
0xec: {  	[tilespmem:s22+$0xE030] =	vst v1  }
0xed: {  	v1 =	vld [tilespmem:s29+$0x7040];
	_ =	sdelay $0x4  }
0xee: {  	[tilespmem:s22+$0xE040] =	vst v1  }
0xef: {  	v1 =	vld [tilespmem:s29+$0x7050];
	_ =	sdelay $0x4  }
0xf0: {  	[tilespmem:s22+$0xE050] =	vst v1  }
0xf1: {  	v1 =	vld [tilespmem:s29+$0x7060];
	_ =	sdelay $0x4  }
0xf2: {  	[tilespmem:s22+$0xE060] =	vst v1  }
0xf3: {  	v1 =	vld [tilespmem:s29+$0x7070];
	_ =	sdelay $0x4  }
0xf4: {  	[tilespmem:s22+$0xE070] =	vst v1  }
0xf5: {  	v1 =	vld [tilespmem:s29+$0x7400];
	_ =	sdelay $0x4  }
0xf6: {  	[tilespmem:s22+$0xE400] =	vst v1  }
0xf7: {  	v1 =	vld [tilespmem:s29+$0x7410];
	_ =	sdelay $0x4  }
0xf8: {  	[tilespmem:s22+$0xE410] =	vst v1  }
0xf9: {  	v1 =	vld [tilespmem:s29+$0x7420];
	_ =	sdelay $0x4  }
0xfa: {  	[tilespmem:s22+$0xE420] =	vst v1  }
0xfb: {  	v1 =	vld [tilespmem:s29+$0x7430];
	_ =	sdelay $0x2  }
0xfc: {  	s23 =	simm.s32 $0x100;
	s24 =	simm.s32 $0x80  }
0xfd: {  	s28 =	sand.u32 $0x380, s24;
	s26 =	sand.u32 $0x7800, s23;
	s25 =	simm.s32 $0x200  }
.LBB2_9:
0xfe: {  	p0 =	sne.s32 s25, $0x6F00;
	s26 =	sor.u32 s28, s26;
	[tilespmem:s22+$0xE430] =	vst v1  }
0xff: {  	v1 =	vld [tilespmem:s26+$0x7000];
	_ =	sdelay $0x1  }
0x100: {  	s21 =	sadd.s32 $0x200, s21  }
0x101: {  	s22 =	sand.u32 $0x300, s23;
	s23 =	smov.u32 s25;
	s28 =	sand.u32 $0xF800, s21  }
0x102: {  	s22 =	sor.u32 s22, s28  }
0x103: {  	[tilespmem:s22+$0xE000] =	vst v1  }
0x104: {  	v1 =	vld [tilespmem:s26+$0x7010];
	_ =	sdelay $0x4  }
0x105: {  	[tilespmem:s22+$0xE010] =	vst v1  }
0x106: {  	v1 =	vld [tilespmem:s26+$0x7020];
	_ =	sdelay $0x4  }
0x107: {  	[tilespmem:s22+$0xE020] =	vst v1  }
0x108: {  	v1 =	vld [tilespmem:s26+$0x7030];
	_ =	sdelay $0x4  }
0x109: {  	[tilespmem:s22+$0xE030] =	vst v1  }
0x10a: {  	v1 =	vld [tilespmem:s26+$0x7040];
	_ =	sdelay $0x4  }
0x10b: {  	[tilespmem:s22+$0xE040] =	vst v1  }
0x10c: {  	v1 =	vld [tilespmem:s26+$0x7050];
	_ =	sdelay $0x4  }
0x10d: {  	[tilespmem:s22+$0xE050] =	vst v1  }
0x10e: {  	v1 =	vld [tilespmem:s26+$0x7060];
	_ =	sdelay $0x4  }
0x10f: {  	[tilespmem:s22+$0xE060] =	vst v1  }
0x110: {  	v1 =	vld [tilespmem:s26+$0x7070];
	_ =	sdelay $0x4  }
0x111: {  	[tilespmem:s22+$0xE070] =	vst v1  }
0x112: {  	v1 =	vld [tilespmem:s26+$0x7400];
	_ =	sdelay $0x4  }
0x113: {  	[tilespmem:s22+$0xE400] =	vst v1  }
0x114: {  	v1 =	vld [tilespmem:s26+$0x7410];
	_ =	sdelay $0x4  }
0x115: {  	[tilespmem:s22+$0xE410] =	vst v1  }
0x116: {  	v1 =	vld [tilespmem:s26+$0x7420];
	_ =	sdelay $0x4  }
0x117: {  	[tilespmem:s22+$0xE420] =	vst v1  }
.Ltmp3:
0x118: {  	v1 =	vld [tilespmem:s26+$0x7430];
	(pc) =	sbr.rel @p0 .LBB2_9-.Ltmp3, $3  }
0x119: {  	_ =	sdelay $0x1  }
0x11a: {  	s24 =	sadd.s32 $0x80, s24  }
0x11b: {  	s25 =	sadd.s32 $0x100, s25;
	s28 =	sand.u32 $0x380, s24;
	s26 =	sand.u32 $0x7800, s23  }
0x11c: {  	s24 =	sor.u32 s28, s26;
	[tilespmem:s22+$0xE430] =	vst v1  }
0x11d: {  	v1 =	vld [tilespmem:s24+$0x7000];
	_ =	sdelay $0x1  }
0x11e: {  	s21 =	sadd.s32 $0x200, s21  }
0x11f: {  	s28 =	sand.u32 $0x300, s23;
	s21 =	sand.u32 $0xF800, s21  }
0x120: {  	s21 =	sor.u32 s28, s21  }
0x121: {  	[tilespmem:s21+$0xE000] =	vst v1  }
0x122: {  	v1 =	vld [tilespmem:s24+$0x7010];
	_ =	sdelay $0x4  }
0x123: {  	[tilespmem:s21+$0xE010] =	vst v1  }
0x124: {  	v1 =	vld [tilespmem:s24+$0x7020];
	_ =	sdelay $0x4  }
0x125: {  	[tilespmem:s21+$0xE020] =	vst v1  }
0x126: {  	v1 =	vld [tilespmem:s24+$0x7030];
	_ =	sdelay $0x4  }
0x127: {  	[tilespmem:s21+$0xE030] =	vst v1  }
0x128: {  	v1 =	vld [tilespmem:s24+$0x7040];
	_ =	sdelay $0x4  }
0x129: {  	[tilespmem:s21+$0xE040] =	vst v1  }
0x12a: {  	v1 =	vld [tilespmem:s24+$0x7050];
	_ =	sdelay $0x4  }
0x12b: {  	[tilespmem:s21+$0xE050] =	vst v1  }
0x12c: {  	v1 =	vld [tilespmem:s24+$0x7060];
	_ =	sdelay $0x4  }
0x12d: {  	[tilespmem:s21+$0xE060] =	vst v1  }
0x12e: {  	v1 =	vld [tilespmem:s24+$0x7070];
	_ =	sdelay $0x4  }
0x12f: {  	[tilespmem:s21+$0xE070] =	vst v1  }
0x130: {  	v1 =	vld [tilespmem:s24+$0x7400];
	_ =	sdelay $0x4  }
0x131: {  	[tilespmem:s21+$0xE400] =	vst v1  }
0x132: {  	v1 =	vld [tilespmem:s24+$0x7410];
	_ =	sdelay $0x4  }
0x133: {  	[tilespmem:s21+$0xE410] =	vst v1  }
0x134: {  	v1 =	vld [tilespmem:s24+$0x7420];
	_ =	sdelay $0x4  }
0x135: {  	[tilespmem:s21+$0xE420] =	vst v1  }
0x136: {  	s19 =	smul.u32 $0xC40000, s19;
	v1 =	vld [tilespmem:s24+$0x7430]  }
0x137: {  	s20 =	smul.u32 $0x1C000, s20;
	_ =	sdelay $0x1  }
0x138: {  	s19 =	sadd.s32 s20, s19  }
0x139: {  	s19 =	sshrl.u32 s19, $0x3  }
0x13a: {  	s19 =	sadd.s32 s5, s19;
	[tilespmem:s21+$0xE430] =	vst v1  }
0x13b: {  	[hbm4b:s19+s4] =	stream.linear.scatter [tilespmem:s11], [sflag:$0x3], $0xE000, $0x38;
	[tilespmem:$0x1F800] =	vst v63  }
0x13c: {  	_ =	swait.ge [sflag:s15], $0x3800  }
0x13d: {  	[sflag:s15] =	ssyncset.done $0x0  }
0x13e: {  	[sflag:s15] =	ssyncadd.s32 $0xFFFFC800  }
0x13f: {  	_ =	swait.ge [sflag:s15], $0x3800  }
0x140: {  	[sflag:s15] =	ssyncset.done $0x0  }
0x141: {  	[sflag:s15] =	ssyncadd.s32 $0xFFFFC800  }
0x142: {  	_ =	swait.ge [sflag:s15], $0x3800  }
0x143: {  	[sflag:s15] =	ssyncset.done $0x0  }
0x144: {  	[sflag:s15] =	ssyncadd.s32 $0xFFFFC800  }
0x145: {  	_ =	swait.ge [sflag:s15], $0x3800  }
0x146: {  	[sflag:s15] =	ssyncset.done $0x0  }
0x147: {  	s18 =	sadd.s32 $0x1, s18;
	s29 =	sadd.s32 $0x1C00, s19;
	[sflag:s15] =	ssyncadd.s32 $0xFFFFC800  }
0x148: {  	[hbm4b:s29+s4] =	stream.linear.scatter [tilespmem:s12], [sflag:$0x4], $0x3800, $0x38;
	[tilespmem:$0x1F800] =	vst v63  }
0x149: {  	p0 =	sne.s32 s18, $0x7;
	s30 =	sadd.s32 $0x2300, s19  }
0x14a: {  	[hbm4b:s30+s4] =	stream.linear.scatter [tilespmem:s12], [sflag:$0x4], $0x3800, $0x38;
	[tilespmem:$0x1F800] =	vst v63  }
.Ltmp4:
0x14b: {  	_ = 	snop;
	(pc) =	sbr.rel @p0 .LBB2_6-.Ltmp4, $4  }
0x14c: {  	s31 =	sadd.s32 $0x2A00, s19  }
0x14d: {  	[hbm4b:s31+s4] =	stream.linear.scatter [tilespmem:s12], [sflag:$0x4], $0x3800, $0x38;
	[tilespmem:$0x1F800] =	vst v63  }
0x14e: {  	s19 =	sadd.s32 $0x3100, s19  }
0x14f: {  	[hbm4b:s19+s4] =	stream.linear.scatter [tilespmem:s12], [sflag:$0x4], $0x3800, $0x38;
	[tilespmem:$0x1F800] =	vst v63  }
0x150: {  	_ =	swait.ge [sflag:s13], $0xE000  }
0x151: {  	[sflag:s13] =	ssyncset.done $0x0  }
0x152: {  	[sflag:s13] =	ssyncadd.s32 $0xFFFF2000  }
0x153: {  	_ =	swait.ge [sflag:s15], $0x3800  }
0x154: {  	[sflag:s15] =	ssyncset.done $0x0  }
0x155: {  	[sflag:s15] =	ssyncadd.s32 $0xFFFFC800  }
0x156: {  	_ =	swait.ge [sflag:s15], $0x3800  }
0x157: {  	[sflag:s15] =	ssyncset.done $0x0  }
0x158: {  	s16 =	sadd.s32 $0x1, s16;
	[sflag:s15] =	ssyncadd.s32 $0xFFFFC800  }
0x159: {  	p0 =	sne.s32 s16, s8;
	_ =	swait.ge [sflag:s15], $0x3800  }
.Ltmp5:
0x15a: {  	[sflag:s15] =	ssyncset.done $0x0;
	(pc) =	sbr.rel @p0 .LBB2_1-.Ltmp5, $4  }
0x15b: {  	[sflag:s15] =	ssyncadd.s32 $0xFFFFC800  }
0x15c: {  	_ =	swait.ge [sflag:s15], $0x3800  }
0x15d: {  	[sflag:s15] =	ssyncset.done $0x0  }
0x15e: {  	[sflag:s15] =	ssyncadd.s32 $0xFFFFC800  }
0x15f: {  	_ =	sfence.sel $0x180000  }
0x160: {  	[bflag:$0x0] =	sbarrier.arrive $0xFFFF  }
0x161: {  	p0 =	sne.s32 s0, $0x0;
	_ =	strace $0x90000047  }
0x162: {  	s0 =	sadd.s32 @!p0 $0x100000, s2;
	[bflag:$0x2] =	sbarrier.arrive $0xFFFF  }
0x163: {  	[sflag:s0] =	ssyncadd.tile.s32 @!p0 $0x1;
	_ =	shalt  }
.Lfunc_end2:
_tile_overlayer_lowered:
.L_overlay_start_2:
0x164: {  	(tag) =	ssettag $0x2  }
0x165: {  	s0 =	rddreg [dreg:$0x0];
	s2 =	stileid.u32  }
0x166: {  	s1 =	rddreg [dreg:$0x1];
	p0 =	sne.s32 s2, $0x0  }
0x167: {  	s3 =	rddreg [dreg:$0x2];
	[bflag:$0x3] =	sbarrier.arrive $0xFFFF;
	s2 =	simm.s32 @!p0 $0x1C05  }
0x168: {  	[timem:s3], [sflag:s2] =	dma.local @!p0 [hbm:s0], s1  }
0x169: {  	s0 =	simm.s32 @!p0 $0x5  }
0x16a: {  	_ =	swait.ge @!p0 [sflag:s0], s1  }
0x16b: {  	s1 =	ssub.s32 @!p0 $0x0, s1;
	[sflag:s0] =	ssyncset.done @!p0 $0x0  }
0x16c: {  	[sflag:s0] =	ssyncadd.s32 @!p0 s1  }
0x16d: {  	[bflag:$0x3] =	sbarrier.arrive $0xFFFF  }
0x16e: {  	_ =	shalt  }

</sc_bundles>
